<compile_context>
chip_gen: v7x
topology: tpu7x:2x2x1
jax: 0.10.2.dev20260603
libtpu: 0.0.44.dev20260713+nightly
codegen_flags: <defaults>
</compile_context>

<pallas_src>
import jax
import jax.numpy as jnp
from jax import lax
from jax.experimental import pallas as pl
from jax.experimental.pallas import tpu as pltpu
from jax.experimental.pallas import tpu_sc as plsc

_N_CLASSES = 100000
_SMOOTHING = 0.1
_CONFIDENCE = 1.0 - _SMOOTHING
_EPS = _SMOOTHING / (_N_CLASSES - 1)

_ROWS = 1024

_C_SC = 47104
_TC_BR = 2048
_TC_BLK0 = _C_SC // _TC_BR
_TC_NBLK = (_N_CLASSES - _C_SC + _TC_BR - 1) // _TC_BR

_NC = 2
_NS = 16
_NW = _NC * _NS
_CPW = _C_SC // _NW
_SLAB = 32
_NSLAB = _CPW // _SLAB
_RG = _ROWS // 16



def _tc_kernel(lsmt_ref, tgt_ref, out_ref):
    j = pl.program_id(0)
    blk = lsmt_ref[...]
    cls = jax.lax.broadcasted_iota(jnp.int32, (_TC_BR, _ROWS), 0) + (
        _C_SC + j * _TC_BR
    )
    blk0 = jnp.where(cls < _N_CLASSES, blk, 0.0)
    s = jnp.sum(blk0)
    tgt = tgt_ref[...]
    g = jnp.sum(jnp.where(cls == tgt, blk, 0.0))
    acc = jnp.reshape(_EPS * s + (_CONFIDENCE - _EPS) * g, (1, 1))

    @pl.when(j == 0)
    def _():
        out_ref[...] = jnp.zeros_like(out_ref)

    out_ref[...] += acc


def _tc_call(lsmt, tgt2d):
    return pl.pallas_call(
        _tc_kernel,
        grid=(_TC_NBLK,),
        in_specs=[
            pl.BlockSpec((_TC_BR, _ROWS), lambda j: (_TC_BLK0 + j, 0)),
            pl.BlockSpec((1, _ROWS), lambda j: (0, 0)),
        ],
        out_specs=pl.BlockSpec((1, 1), lambda j: (0, 0)),
        out_shape=jax.ShapeDtypeStruct((1, 1), jnp.float32),
        compiler_params=pltpu.CompilerParams(
            dimension_semantics=("arbitrary",),
        ),
    )(lsmt, tgt2d)



def _process_slab(buf, tvbuf, c0, carry):
    def rg_body(rg, carry):
        acc_s, acc_g = carry
        t_slice = tvbuf[pl.ds(rg * 16, 16)]
        for col in range(_SLAB):
            v = buf[col, pl.ds(rg * 16, 16)]
            acc_s = acc_s + v
            acc_g = acc_g + jnp.where(t_slice == c0 + col, v, 0.0)
        return acc_s, acc_g
    return lax.fori_loop(0, _RG, rg_body, carry)


def _sc_body(lsmt_hbm, tgt_hbm, out_hbm, tvbuf, buf0, buf1, outbuf, sem0, sem1):
    c = lax.axis_index("c")
    s = lax.axis_index("s")
    wid = s * _NC + c
    cbase = wid * _CPW
    pltpu.sync_copy(tgt_hbm, tvbuf)

    def slab_src(k):
        c0 = pl.multiple_of(cbase + k * _SLAB, 8)
        return lsmt_hbm.at[pl.ds(c0, _SLAB), :], c0

    src0, _ = slab_src(0)
    src1, _ = slab_src(1)
    pltpu.make_async_copy(src0, buf0, sem0).start()
    pltpu.make_async_copy(src1, buf1, sem1).start()

    def pair_step(p, carry):
        k = p * 2

        src_a, c0_a = slab_src(k)
        pltpu.make_async_copy(src_a, buf0, sem0).wait()
        carry = _process_slab(buf0, tvbuf, c0_a, carry)

        @pl.when(k + 2 < _NSLAB)
        def _():
            src_n, _ = slab_src(k + 2)
            pltpu.make_async_copy(src_n, buf0, sem0).start()

        src_b, c0_b = slab_src(k + 1)
        pltpu.make_async_copy(src_b, buf1, sem1).wait()
        carry = _process_slab(buf1, tvbuf, c0_b, carry)

        @pl.when(k + 3 < _NSLAB)
        def _():
            src_n, _ = slab_src(k + 3)
            pltpu.make_async_copy(src_n, buf1, sem1).start()

        return carry

    zero = jnp.zeros((16,), jnp.float32)
    acc_s, acc_g = lax.fori_loop(0, _NSLAB // 2, pair_step, (zero, zero))
    outbuf[...] = _EPS * acc_s + (_CONFIDENCE - _EPS) * acc_g
    pltpu.sync_copy(outbuf, out_hbm.at[pl.ds(wid * 16, 16)])


_sc_call = pl.kernel(
    _sc_body,
    out_type=jax.ShapeDtypeStruct((_NW * 16,), jnp.float32),
    mesh=plsc.VectorSubcoreMesh(
        core_axis_name="c", subcore_axis_name="s", num_cores=_NC, num_subcores=_NS
    ),
    scratch_types=[
        pltpu.VMEM((_ROWS,), jnp.int32),
        pltpu.VMEM((_SLAB, _ROWS), jnp.float32),
        pltpu.VMEM((_SLAB, _ROWS), jnp.float32),
        pltpu.VMEM((16,), jnp.float32),
        pltpu.SemaphoreType.DMA,
        pltpu.SemaphoreType.DMA,
    ],
)


def kernel(lsm, target):
    lsmt = lsm.T
    tgt = target.astype(jnp.int32)
    sc_partials = _sc_call(lsmt, tgt)
    tc_total = _tc_call(lsmt, tgt.reshape(1, _ROWS))
    return -(jnp.sum(sc_partials) + tc_total[0, 0]) / _ROWS

# --- scband reference (transcript-rebuilt; emitter-appended) ---
"""Pipeline reference for scband-label-smoothing-loss-12386685682061 (READ-ONLY COPY).

The authoritative reference and input builder live on the scoring server;
editing this copy changes nothing except your own understanding.
"""

import jax, jax.numpy as jnp
import numpy as np

N_CLASSES = 100000
SMOOTHING = 0.1
CONFIDENCE = 1.0 - SMOOTHING


def setup_inputs(seed: int = 0) -> dict:
    key = jax.random.key(seed)
    k1, k2 = jax.random.split(key)
    logits = jax.random.normal(k1, (1024, N_CLASSES), dtype=jnp.float32)
    # module expects log-softmax input (lsm)
    lsm = jax.nn.log_softmax(logits, axis=-1)
    target = jax.random.randint(k2, (1024,), 0, N_CLASSES, dtype=jnp.int64)
    return {"lsm": lsm, "target": target}


def reference(lsm, target):
    # true_dist = smoothing/(n_classes-1) everywhere, confidence at target index
    true_dist = jnp.full(lsm.shape, SMOOTHING / (N_CLASSES - 1), dtype=lsm.dtype)
    rows = jnp.arange(lsm.shape[0])
    true_dist = true_dist.at[rows, target].set(CONFIDENCE)
    per_example = jnp.sum(-true_dist * lsm, axis=-1)
    return jnp.mean(per_example)

if __name__ == "__main__":
    import jax
    _d = setup_inputs()
    print(jax.jit(kernel)(*tuple(_d.values())))

</pallas_src>

<mosaic_0001>
#map = affine_map<(d0, d1) -> (0, 0)>
#map1 = affine_map<(d0, d1) -> (0)>
module attributes {stable_mosaic.version = 14 : i64} {
  func.func @_sc_body(%arg0: i32, %arg1: i32, %arg2: memref<100000x1024xf32, #tpu.memory_space<hbm>>, %arg3: memref<1024xi32, #tpu.memory_space<hbm>>, %arg4: memref<512xf32, #tpu.memory_space<hbm>>, %arg5: memref<1024xi32, #tpu.memory_space<vmem>>, %arg6: memref<32x1024xf32, #tpu.memory_space<vmem>>, %arg7: memref<32x1024xf32, #tpu.memory_space<vmem>>, %arg8: memref<16xf32, #tpu.memory_space<vmem>>, %arg9: memref<!tpu.dma_semaphore, #tpu.memory_space<semaphore_mem>>, %arg10: memref<!tpu.dma_semaphore, #tpu.memory_space<semaphore_mem>>) attributes {dimension_semantics = [#tpu.dimension_semantics<core_parallel>, #tpu.dimension_semantics<subcore_parallel>], iteration_bounds = array<i64: 2, 16>, scalar_prefetch = 0 : i64, scratch_operands = 6 : i64, tpu.core_type = #tpu.core_type<sc_vector_subcore>, window_params = [{transform_indices = #map}, {transform_indices = #map1}, {transform_indices = #map1}]} {
    %mul3A = arith.constant 2 : i32
    %mul3A_0 = arith.muli %arg1, %mul3A : i32
    %add3A = arith.addi %mul3A_0, %arg0 : i32
    %mul3A_1 = arith.constant 1472 : i32
    %mul3A_2 = arith.muli %add3A, %mul3A_1 : i32
    "tpu.region"() ({
      %run_scoped3A = tpu.sem_alloc : memref<!tpu.dma_semaphore, #tpu.memory_space<semaphore_mem>>
      tpu.enqueue_dma source(%arg3 : memref<1024xi32, #tpu.memory_space<hbm>>) target(%arg5 : memref<1024xi32, #tpu.memory_space<vmem>>) target_semaphore(%run_scoped3A : memref<!tpu.dma_semaphore, #tpu.memory_space<semaphore_mem>>)
      tpu.wait_dma2 semaphore(%run_scoped3A : memref<!tpu.dma_semaphore, #tpu.memory_space<semaphore_mem>>) src(%arg3 : memref<1024xi32, #tpu.memory_space<hbm>>) dst(%arg5 : memref<1024xi32, #tpu.memory_space<vmem>>)
      tpu.yield
    }) : () -> ()
    %add3A_3 = arith.constant 0 : i32
    %add3A_4 = arith.addi %mul3A_2, %add3A_3 : i32
    %multiple_of3A = tpu.assume_multiple %add3A_4, 8 : i32
    %add3A_5 = arith.constant 32 : i32
    %add3A_6 = arith.addi %mul3A_2, %add3A_5 : i32
    %multiple_of3A_7 = tpu.assume_multiple %add3A_6, 8 : i32
    %dma_start3A = arith.constant 0 : i32
    %dma_start3A_8 = tpu.memref_slice %arg2[%multiple_of3A, %dma_start3A] : memref<100000x1024xf32, #tpu.memory_space<hbm>> -> memref<32x1024xf32, #tpu.memory_space<hbm>>
    %dma_start3A_9 = arith.constant 0 : i32
    %dma_start3A_10 = tpu.memref_slice %arg2[%multiple_of3A, %dma_start3A_9] : memref<100000x1024xf32, #tpu.memory_space<hbm>> -> memref<32x1024xf32, #tpu.memory_space<hbm>>
    tpu.enqueue_dma source(%dma_start3A_10 : memref<32x1024xf32, #tpu.memory_space<hbm>>) target(%arg6 : memref<32x1024xf32, #tpu.memory_space<vmem>>) target_semaphore(%arg9 : memref<!tpu.dma_semaphore, #tpu.memory_space<semaphore_mem>>)
    %dma_start3A_11 = arith.constant 0 : i32
    %dma_start3A_12 = tpu.memref_slice %arg2[%multiple_of3A_7, %dma_start3A_11] : memref<100000x1024xf32, #tpu.memory_space<hbm>> -> memref<32x1024xf32, #tpu.memory_space<hbm>>
    %dma_start3A_13 = arith.constant 0 : i32
    %dma_start3A_14 = tpu.memref_slice %arg2[%multiple_of3A_7, %dma_start3A_13] : memref<100000x1024xf32, #tpu.memory_space<hbm>> -> memref<32x1024xf32, #tpu.memory_space<hbm>>
    tpu.enqueue_dma source(%dma_start3A_14 : memref<32x1024xf32, #tpu.memory_space<hbm>>) target(%arg7 : memref<32x1024xf32, #tpu.memory_space<vmem>>) target_semaphore(%arg10 : memref<!tpu.dma_semaphore, #tpu.memory_space<semaphore_mem>>)
    %broadcast_in_dim3A = arith.constant 0.000000e+00 : f32
    %broadcast_in_dim3A_15 = vector.broadcast %broadcast_in_dim3A : f32 to vector<16xf32>
    %scan3A = arith.constant 0 : i32
    %scan3A_16 = arith.constant 23 : i32
    %scan3A_17 = arith.addi %scan3A, %scan3A_16 : i32
    %scan3A_18 = arith.constant 1 : i32
    %scan3A_19:2 = scf.for %scan3A_33 = %scan3A to %scan3A_17 step %scan3A_18 iter_args(%scan3A_34 = %broadcast_in_dim3A_15, %scan3A_35 = %broadcast_in_dim3A_15) -> (vector<16xf32>, vector<16xf32>)  : i32 {
      %mul3A_36 = arith.constant 2 : i32
      %mul3A_37 = arith.muli %scan3A_33, %mul3A_36 : i32
      %mul3A_38 = arith.constant 32 : i32
      %mul3A_39 = arith.muli %mul3A_37, %mul3A_38 : i32
      %add3A_40 = arith.addi %mul3A_2, %mul3A_39 : i32
      %multiple_of3A_41 = tpu.assume_multiple %add3A_40, 8 : i32
      %dma_wait3A = arith.constant 0 : i32
      %dma_wait3A_42 = tpu.memref_slice %arg2[%multiple_of3A_41, %dma_wait3A] : memref<100000x1024xf32, #tpu.memory_space<hbm>> -> memref<32x1024xf32, #tpu.memory_space<hbm>>
      %dma_wait3A_43 = arith.constant 0 : i32
      %dma_wait3A_44 = tpu.memref_slice %arg2[%multiple_of3A_41, %dma_wait3A_43] : memref<100000x1024xf32, #tpu.memory_space<hbm>> -> memref<32x1024xf32, #tpu.memory_space<hbm>>
      tpu.wait_dma2 semaphore(%arg9 : memref<!tpu.dma_semaphore, #tpu.memory_space<semaphore_mem>>) src(%dma_wait3A_44 : memref<32x1024xf32, #tpu.memory_space<hbm>>) dst(%arg6 : memref<32x1024xf32, #tpu.memory_space<vmem>>)
      %scan3A_45 = arith.constant 0 : i32
      %scan3A_46 = arith.constant 64 : i32
      %scan3A_47 = arith.addi %scan3A_45, %scan3A_46 : i32
      %scan3A_48 = arith.constant 1 : i32
      %scan3A_49:2 = scf.for %scan3A_78 = %scan3A_45 to %scan3A_47 step %scan3A_48 iter_args(%scan3A_79 = %scan3A_34, %scan3A_80 = %scan3A_35) -> (vector<16xf32>, vector<16xf32>)  : i32 {
        %mul3A_81 = arith.constant 16 : i32
        %mul3A_82 = arith.muli %scan3A_78, %mul3A_81 : i32
        %get3A = arith.index_cast %mul3A_82 : i32 to index
        %get3A_83 = tpu.vector_load %arg5[%get3A] {strides = array<i32>} : memref<1024xi32, #tpu.memory_space<vmem>>, vector<16xi32>,
        %get3A_84 = vector.shape_cast %get3A_83 : vector<16xi32> to vector<16xi32>
        %mul3A_85 = arith.constant 16 : i32
        %mul3A_86 = arith.muli %scan3A_78, %mul3A_85 : i32
        %get3A_87 = arith.constant 0 : i32
        %get3A_88 = arith.index_cast %get3A_87 : i32 to index
        %get3A_89 = arith.index_cast %mul3A_86 : i32 to index
        %get3A_90 = tpu.vector_load %arg6[%get3A_88, %get3A_89] {strides = array<i32>} : memref<32x1024xf32, #tpu.memory_space<vmem>>, vector<1x16xf32>,
        %get3A_91 = vector.shape_cast %get3A_90 : vector<1x16xf32> to vector<16xf32>
        %add3A_92 = arith.addf %scan3A_79, %get3A_91 : vector<16xf32>
        %add3A_93 = arith.constant 0 : i32
        %add3A_94 = arith.addi %multiple_of3A_41, %add3A_93 : i32
        %eq3A = vector.broadcast %add3A_94 : i32 to vector<16xi32>
        %eq3A_95 = arith.cmpi eq, %get3A_84, %eq3A : vector<16xi32>
        %jit3A = arith.constant 0.000000e+00 : f32
        %broadcast_in_dim3A_96 = vector.broadcast %jit3A : f32 to vector<16xf32>
        %select_n3A = arith.select %eq3A_95, %get3A_91, %broadcast_in_dim3A_96 : vector<16xi1>, vector<16xf32>
        %add3A_97 = arith.addf %scan3A_80, %select_n3A : vector<16xf32>
        %mul3A_98 = arith.constant 16 : i32
        %mul3A_99 = arith.muli %scan3A_78, %mul3A_98 : i32
        %get3A_100 = arith.constant 1 : i32
        %get3A_101 = arith.index_cast %get3A_100 : i32 to index
        %get3A_102 = arith.index_cast %mul3A_99 : i32 to index
        %get3A_103 = tpu.vector_load %arg6[%get3A_101, %get3A_102] {strides = array<i32>} : memref<32x1024xf32, #tpu.memory_space<vmem>>, vector<1x16xf32>,
        %get3A_104 = vector.shape_cast %get3A_103 : vector<1x16xf32> to vector<16xf32>
        %add3A_105 = arith.addf %add3A_92, %get3A_104 : vector<16xf32>
        %add3A_106 = arith.constant 1 : i32
        %add3A_107 = arith.addi %multiple_of3A_41, %add3A_106 : i32
        %eq3A_108 = vector.broadcast %add3A_107 : i32 to vector<16xi32>
        %eq3A_109 = arith.cmpi eq, %get3A_84, %eq3A_108 : vector<16xi32>
        %jit3A_110 = arith.constant 0.000000e+00 : f32
        %broadcast_in_dim3A_111 = vector.broadcast %jit3A_110 : f32 to vector<16xf32>
        %select_n3A_112 = arith.select %eq3A_109, %get3A_104, %broadcast_in_dim3A_111 : vector<16xi1>, vector<16xf32>
        %add3A_113 = arith.addf %add3A_97, %select_n3A_112 : vector<16xf32>
        %mul3A_114 = arith.constant 16 : i32
        %mul3A_115 = arith.muli %scan3A_78, %mul3A_114 : i32
        %get3A_116 = arith.constant 2 : i32
        %get3A_117 = arith.index_cast %get3A_116 : i32 to index
        %get3A_118 = arith.index_cast %mul3A_115 : i32 to index
        %get3A_119 = tpu.vector_load %arg6[%get3A_117, %get3A_118] {strides = array<i32>} : memref<32x1024xf32, #tpu.memory_space<vmem>>, vector<1x16xf32>,
        %get3A_120 = vector.shape_cast %get3A_119 : vector<1x16xf32> to vector<16xf32>
        %add3A_121 = arith.addf %add3A_105, %get3A_120 : vector<16xf32>
        %add3A_122 = arith.constant 2 : i32
        %add3A_123 = arith.addi %multiple_of3A_41, %add3A_122 : i32
        %eq3A_124 = vector.broadcast %add3A_123 : i32 to vector<16xi32>
        %eq3A_125 = arith.cmpi eq, %get3A_84, %eq3A_124 : vector<16xi32>
        %jit3A_126 = arith.constant 0.000000e+00 : f32
        %broadcast_in_dim3A_127 = vector.broadcast %jit3A_126 : f32 to vector<16xf32>
        %select_n3A_128 = arith.select %eq3A_125, %get3A_120, %broadcast_in_dim3A_127 : vector<16xi1>, vector<16xf32>
        %add3A_129 = arith.addf %add3A_113, %select_n3A_128 : vector<16xf32>
        %mul3A_130 = arith.constant 16 : i32
        %mul3A_131 = arith.muli %scan3A_78, %mul3A_130 : i32
        %get3A_132 = arith.constant 3 : i32
        %get3A_133 = arith.index_cast %get3A_132 : i32 to index
        %get3A_134 = arith.index_cast %mul3A_131 : i32 to index
        %get3A_135 = tpu.vector_load %arg6[%get3A_133, %get3A_134] {strides = array<i32>} : memref<32x1024xf32, #tpu.memory_space<vmem>>, vector<1x16xf32>,
        %get3A_136 = vector.shape_cast %get3A_135 : vector<1x16xf32> to vector<16xf32>
        %add3A_137 = arith.addf %add3A_121, %get3A_136 : vector<16xf32>
        %add3A_138 = arith.constant 3 : i32
        %add3A_139 = arith.addi %multiple_of3A_41, %add3A_138 : i32
        %eq3A_140 = vector.broadcast %add3A_139 : i32 to vector<16xi32>
        %eq3A_141 = arith.cmpi eq, %get3A_84, %eq3A_140 : vector<16xi32>
        %jit3A_142 = arith.constant 0.000000e+00 : f32
        %broadcast_in_dim3A_143 = vector.broadcast %jit3A_142 : f32 to vector<16xf32>
        %select_n3A_144 = arith.select %eq3A_141, %get3A_136, %broadcast_in_dim3A_143 : vector<16xi1>, vector<16xf32>
        %add3A_145 = arith.addf %add3A_129, %select_n3A_144 : vector<16xf32>
        %mul3A_146 = arith.constant 16 : i32
        %mul3A_147 = arith.muli %scan3A_78, %mul3A_146 : i32
        %get3A_148 = arith.constant 4 : i32
        %get3A_149 = arith.index_cast %get3A_148 : i32 to index
        %get3A_150 = arith.index_cast %mul3A_147 : i32 to index
        %get3A_151 = tpu.vector_load %arg6[%get3A_149, %get3A_150] {strides = array<i32>} : memref<32x1024xf32, #tpu.memory_space<vmem>>, vector<1x16xf32>,
        %get3A_152 = vector.shape_cast %get3A_151 : vector<1x16xf32> to vector<16xf32>
        %add3A_153 = arith.addf %add3A_137, %get3A_152 : vector<16xf32>
        %add3A_154 = arith.constant 4 : i32
        %add3A_155 = arith.addi %multiple_of3A_41, %add3A_154 : i32
        %eq3A_156 = vector.broadcast %add3A_155 : i32 to vector<16xi32>
        %eq3A_157 = arith.cmpi eq, %get3A_84, %eq3A_156 : vector<16xi32>
        %jit3A_158 = arith.constant 0.000000e+00 : f32
        %broadcast_in_dim3A_159 = vector.broadcast %jit3A_158 : f32 to vector<16xf32>
        %select_n3A_160 = arith.select %eq3A_157, %get3A_152, %broadcast_in_dim3A_159 : vector<16xi1>, vector<16xf32>
        %add3A_161 = arith.addf %add3A_145, %select_n3A_160 : vector<16xf32>
        %mul3A_162 = arith.constant 16 : i32
        %mul3A_163 = arith.muli %scan3A_78, %mul3A_162 : i32
        %get3A_164 = arith.constant 5 : i32
        %get3A_165 = arith.index_cast %get3A_164 : i32 to index
        %get3A_166 = arith.index_cast %mul3A_163 : i32 to index
        %get3A_167 = tpu.vector_load %arg6[%get3A_165, %get3A_166] {strides = array<i32>} : memref<32x1024xf32, #tpu.memory_space<vmem>>, vector<1x16xf32>,
        %get3A_168 = vector.shape_cast %get3A_167 : vector<1x16xf32> to vector<16xf32>
        %add3A_169 = arith.addf %add3A_153, %get3A_168 : vector<16xf32>
        %add3A_170 = arith.constant 5 : i32
        %add3A_171 = arith.addi %multiple_of3A_41, %add3A_170 : i32
        %eq3A_172 = vector.broadcast %add3A_171 : i32 to vector<16xi32>
        %eq3A_173 = arith.cmpi eq, %get3A_84, %eq3A_172 : vector<16xi32>
        %jit3A_174 = arith.constant 0.000000e+00 : f32
        %broadcast_in_dim3A_175 = vector.broadcast %jit3A_174 : f32 to vector<16xf32>
        %select_n3A_176 = arith.select %eq3A_173, %get3A_168, %broadcast_in_dim3A_175 : vector<16xi1>, vector<16xf32>
        %add3A_177 = arith.addf %add3A_161, %select_n3A_176 : vector<16xf32>
        %mul3A_178 = arith.constant 16 : i32
        %mul3A_179 = arith.muli %scan3A_78, %mul3A_178 : i32
        %get3A_180 = arith.constant 6 : i32
        %get3A_181 = arith.index_cast %get3A_180 : i32 to index
        %get3A_182 = arith.index_cast %mul3A_179 : i32 to index
        %get3A_183 = tpu.vector_load %arg6[%get3A_181, %get3A_182] {strides = array<i32>} : memref<32x1024xf32, #tpu.memory_space<vmem>>, vector<1x16xf32>,
        %get3A_184 = vector.shape_cast %get3A_183 : vector<1x16xf32> to vector<16xf32>
        %add3A_185 = arith.addf %add3A_169, %get3A_184 : vector<16xf32>
        %add3A_186 = arith.constant 6 : i32
        %add3A_187 = arith.addi %multiple_of3A_41, %add3A_186 : i32
        %eq3A_188 = vector.broadcast %add3A_187 : i32 to vector<16xi32>
        %eq3A_189 = arith.cmpi eq, %get3A_84, %eq3A_188 : vector<16xi32>
        %jit3A_190 = arith.constant 0.000000e+00 : f32
        %broadcast_in_dim3A_191 = vector.broadcast %jit3A_190 : f32 to vector<16xf32>
        %select_n3A_192 = arith.select %eq3A_189, %get3A_184, %broadcast_in_dim3A_191 : vector<16xi1>, vector<16xf32>
        %add3A_193 = arith.addf %add3A_177, %select_n3A_192 : vector<16xf32>
        %mul3A_194 = arith.constant 16 : i32
        %mul3A_195 = arith.muli %scan3A_78, %mul3A_194 : i32
        %get3A_196 = arith.constant 7 : i32
        %get3A_197 = arith.index_cast %get3A_196 : i32 to index
        %get3A_198 = arith.index_cast %mul3A_195 : i32 to index
        %get3A_199 = tpu.vector_load %arg6[%get3A_197, %get3A_198] {strides = array<i32>} : memref<32x1024xf32, #tpu.memory_space<vmem>>, vector<1x16xf32>,
        %get3A_200 = vector.shape_cast %get3A_199 : vector<1x16xf32> to vector<16xf32>
        %add3A_201 = arith.addf %add3A_185, %get3A_200 : vector<16xf32>
        %add3A_202 = arith.constant 7 : i32
        %add3A_203 = arith.addi %multiple_of3A_41, %add3A_202 : i32
        %eq3A_204 = vector.broadcast %add3A_203 : i32 to vector<16xi32>
        %eq3A_205 = arith.cmpi eq, %get3A_84, %eq3A_204 : vector<16xi32>
        %jit3A_206 = arith.constant 0.000000e+00 : f32
        %broadcast_in_dim3A_207 = vector.broadcast %jit3A_206 : f32 to vector<16xf32>
        %select_n3A_208 = arith.select %eq3A_205, %get3A_200, %broadcast_in_dim3A_207 : vector<16xi1>, vector<16xf32>
        %add3A_209 = arith.addf %add3A_193, %select_n3A_208 : vector<16xf32>
        %mul3A_210 = arith.constant 16 : i32
        %mul3A_211 = arith.muli %scan3A_78, %mul3A_210 : i32
        %get3A_212 = arith.constant 8 : i32
        %get3A_213 = arith.index_cast %get3A_212 : i32 to index
        %get3A_214 = arith.index_cast %mul3A_211 : i32 to index
        %get3A_215 = tpu.vector_load %arg6[%get3A_213, %get3A_214] {strides = array<i32>} : memref<32x1024xf32, #tpu.memory_space<vmem>>, vector<1x16xf32>,
        %get3A_216 = vector.shape_cast %get3A_215 : vector<1x16xf32> to vector<16xf32>
        %add3A_217 = arith.addf %add3A_201, %get3A_216 : vector<16xf32>
        %add3A_218 = arith.constant 8 : i32
        %add3A_219 = arith.addi %multiple_of3A_41, %add3A_218 : i32
        %eq3A_220 = vector.broadcast %add3A_219 : i32 to vector<16xi32>
        %eq3A_221 = arith.cmpi eq, %get3A_84, %eq3A_220 : vector<16xi32>
        %jit3A_222 = arith.constant 0.000000e+00 : f32
        %broadcast_in_dim3A_223 = vector.broadcast %jit3A_222 : f32 to vector<16xf32>
        %select_n3A_224 = arith.select %eq3A_221, %get3A_216, %broadcast_in_dim3A_223 : vector<16xi1>, vector<16xf32>
        %add3A_225 = arith.addf %add3A_209, %select_n3A_224 : vector<16xf32>
        %mul3A_226 = arith.constant 16 : i32
        %mul3A_227 = arith.muli %scan3A_78, %mul3A_226 : i32
        %get3A_228 = arith.constant 9 : i32
        %get3A_229 = arith.index_cast %get3A_228 : i32 to index
        %get3A_230 = arith.index_cast %mul3A_227 : i32 to index
        %get3A_231 = tpu.vector_load %arg6[%get3A_229, %get3A_230] {strides = array<i32>} : memref<32x1024xf32, #tpu.memory_space<vmem>>, vector<1x16xf32>,
        %get3A_232 = vector.shape_cast %get3A_231 : vector<1x16xf32> to vector<16xf32>
        %add3A_233 = arith.addf %add3A_217, %get3A_232 : vector<16xf32>
        %add3A_234 = arith.constant 9 : i32
        %add3A_235 = arith.addi %multiple_of3A_41, %add3A_234 : i32
        %eq3A_236 = vector.broadcast %add3A_235 : i32 to vector<16xi32>
        %eq3A_237 = arith.cmpi eq, %get3A_84, %eq3A_236 : vector<16xi32>
        %jit3A_238 = arith.constant 0.000000e+00 : f32
        %broadcast_in_dim3A_239 = vector.broadcast %jit3A_238 : f32 to vector<16xf32>
        %select_n3A_240 = arith.select %eq3A_237, %get3A_232, %broadcast_in_dim3A_239 : vector<16xi1>, vector<16xf32>
        %add3A_241 = arith.addf %add3A_225, %select_n3A_240 : vector<16xf32>
        %mul3A_242 = arith.constant 16 : i32
        %mul3A_243 = arith.muli %scan3A_78, %mul3A_242 : i32
        %get3A_244 = arith.constant 10 : i32
        %get3A_245 = arith.index_cast %get3A_244 : i32 to index
        %get3A_246 = arith.index_cast %mul3A_243 : i32 to index
        %get3A_247 = tpu.vector_load %arg6[%get3A_245, %get3A_246] {strides = array<i32>} : memref<32x1024xf32, #tpu.memory_space<vmem>>, vector<1x16xf32>,
        %get3A_248 = vector.shape_cast %get3A_247 : vector<1x16xf32> to vector<16xf32>
        %add3A_249 = arith.addf %add3A_233, %get3A_248 : vector<16xf32>
        %add3A_250 = arith.constant 10 : i32
        %add3A_251 = arith.addi %multiple_of3A_41, %add3A_250 : i32
        %eq3A_252 = vector.broadcast %add3A_251 : i32 to vector<16xi32>
        %eq3A_253 = arith.cmpi eq, %get3A_84, %eq3A_252 : vector<16xi32>
        %jit3A_254 = arith.constant 0.000000e+00 : f32
        %broadcast_in_dim3A_255 = vector.broadcast %jit3A_254 : f32 to vector<16xf32>
        %select_n3A_256 = arith.select %eq3A_253, %get3A_248, %broadcast_in_dim3A_255 : vector<16xi1>, vector<16xf32>
        %add3A_257 = arith.addf %add3A_241, %select_n3A_256 : vector<16xf32>
        %mul3A_258 = arith.constant 16 : i32
        %mul3A_259 = arith.muli %scan3A_78, %mul3A_258 : i32
        %get3A_260 = arith.constant 11 : i32
        %get3A_261 = arith.index_cast %get3A_260 : i32 to index
        %get3A_262 = arith.index_cast %mul3A_259 : i32 to index
        %get3A_263 = tpu.vector_load %arg6[%get3A_261, %get3A_262] {strides = array<i32>} : memref<32x1024xf32, #tpu.memory_space<vmem>>, vector<1x16xf32>,
        %get3A_264 = vector.shape_cast %get3A_263 : vector<1x16xf32> to vector<16xf32>
        %add3A_265 = arith.addf %add3A_249, %get3A_264 : vector<16xf32>
        %add3A_266 = arith.constant 11 : i32
        %add3A_267 = arith.addi %multiple_of3A_41, %add3A_266 : i32
        %eq3A_268 = vector.broadcast %add3A_267 : i32 to vector<16xi32>
        %eq3A_269 = arith.cmpi eq, %get3A_84, %eq3A_268 : vector<16xi32>
        %jit3A_270 = arith.constant 0.000000e+00 : f32
        %broadcast_in_dim3A_271 = vector.broadcast %jit3A_270 : f32 to vector<16xf32>
        %select_n3A_272 = arith.select %eq3A_269, %get3A_264, %broadcast_in_dim3A_271 : vector<16xi1>, vector<16xf32>
        %add3A_273 = arith.addf %add3A_257, %select_n3A_272 : vector<16xf32>
        %mul3A_274 = arith.constant 16 : i32
        %mul3A_275 = arith.muli %scan3A_78, %mul3A_274 : i32
        %get3A_276 = arith.constant 12 : i32
        %get3A_277 = arith.index_cast %get3A_276 : i32 to index
        %get3A_278 = arith.index_cast %mul3A_275 : i32 to index
        %get3A_279 = tpu.vector_load %arg6[%get3A_277, %get3A_278] {strides = array<i32>} : memref<32x1024xf32, #tpu.memory_space<vmem>>, vector<1x16xf32>,
        %get3A_280 = vector.shape_cast %get3A_279 : vector<1x16xf32> to vector<16xf32>
        %add3A_281 = arith.addf %add3A_265, %get3A_280 : vector<16xf32>
        %add3A_282 = arith.constant 12 : i32
        %add3A_283 = arith.addi %multiple_of3A_41, %add3A_282 : i32
        %eq3A_284 = vector.broadcast %add3A_283 : i32 to vector<16xi32>
        %eq3A_285 = arith.cmpi eq, %get3A_84, %eq3A_284 : vector<16xi32>
        %jit3A_286 = arith.constant 0.000000e+00 : f32
        %broadcast_in_dim3A_287 = vector.broadcast %jit3A_286 : f32 to vector<16xf32>
        %select_n3A_288 = arith.select %eq3A_285, %get3A_280, %broadcast_in_dim3A_287 : vector<16xi1>, vector<16xf32>
        %add3A_289 = arith.addf %add3A_273, %select_n3A_288 : vector<16xf32>
        %mul3A_290 = arith.constant 16 : i32
        %mul3A_291 = arith.muli %scan3A_78, %mul3A_290 : i32
        %get3A_292 = arith.constant 13 : i32
        %get3A_293 = arith.index_cast %get3A_292 : i32 to index
        %get3A_294 = arith.index_cast %mul3A_291 : i32 to index
        %get3A_295 = tpu.vector_load %arg6[%get3A_293, %get3A_294] {strides = array<i32>} : memref<32x1024xf32, #tpu.memory_space<vmem>>, vector<1x16xf32>,
        %get3A_296 = vector.shape_cast %get3A_295 : vector<1x16xf32> to vector<16xf32>
        %add3A_297 = arith.addf %add3A_281, %get3A_296 : vector<16xf32>
        %add3A_298 = arith.constant 13 : i32
        %add3A_299 = arith.addi %multiple_of3A_41, %add3A_298 : i32
        %eq3A_300 = vector.broadcast %add3A_299 : i32 to vector<16xi32>
        %eq3A_301 = arith.cmpi eq, %get3A_84, %eq3A_300 : vector<16xi32>
        %jit3A_302 = arith.constant 0.000000e+00 : f32
        %broadcast_in_dim3A_303 = vector.broadcast %jit3A_302 : f32 to vector<16xf32>
        %select_n3A_304 = arith.select %eq3A_301, %get3A_296, %broadcast_in_dim3A_303 : vector<16xi1>, vector<16xf32>
        %add3A_305 = arith.addf %add3A_289, %select_n3A_304 : vector<16xf32>
        %mul3A_306 = arith.constant 16 : i32
        %mul3A_307 = arith.muli %scan3A_78, %mul3A_306 : i32
        %get3A_308 = arith.constant 14 : i32
        %get3A_309 = arith.index_cast %get3A_308 : i32 to index
        %get3A_310 = arith.index_cast %mul3A_307 : i32 to index
        %get3A_311 = tpu.vector_load %arg6[%get3A_309, %get3A_310] {strides = array<i32>} : memref<32x1024xf32, #tpu.memory_space<vmem>>, vector<1x16xf32>,
        %get3A_312 = vector.shape_cast %get3A_311 : vector<1x16xf32> to vector<16xf32>
        %add3A_313 = arith.addf %add3A_297, %get3A_312 : vector<16xf32>
        %add3A_314 = arith.constant 14 : i32
        %add3A_315 = arith.addi %multiple_of3A_41, %add3A_314 : i32
        %eq3A_316 = vector.broadcast %add3A_315 : i32 to vector<16xi32>
        %eq3A_317 = arith.cmpi eq, %get3A_84, %eq3A_316 : vector<16xi32>
        %jit3A_318 = arith.constant 0.000000e+00 : f32
        %broadcast_in_dim3A_319 = vector.broadcast %jit3A_318 : f32 to vector<16xf32>
        %select_n3A_320 = arith.select %eq3A_317, %get3A_312, %broadcast_in_dim3A_319 : vector<16xi1>, vector<16xf32>
        %add3A_321 = arith.addf %add3A_305, %select_n3A_320 : vector<16xf32>
        %mul3A_322 = arith.constant 16 : i32
        %mul3A_323 = arith.muli %scan3A_78, %mul3A_322 : i32
        %get3A_324 = arith.constant 15 : i32
        %get3A_325 = arith.index_cast %get3A_324 : i32 to index
        %get3A_326 = arith.index_cast %mul3A_323 : i32 to index
        %get3A_327 = tpu.vector_load %arg6[%get3A_325, %get3A_326] {strides = array<i32>} : memref<32x1024xf32, #tpu.memory_space<vmem>>, vector<1x16xf32>,
        %get3A_328 = vector.shape_cast %get3A_327 : vector<1x16xf32> to vector<16xf32>
        %add3A_329 = arith.addf %add3A_313, %get3A_328 : vector<16xf32>
        %add3A_330 = arith.constant 15 : i32
        %add3A_331 = arith.addi %multiple_of3A_41, %add3A_330 : i32
        %eq3A_332 = vector.broadcast %add3A_331 : i32 to vector<16xi32>
        %eq3A_333 = arith.cmpi eq, %get3A_84, %eq3A_332 : vector<16xi32>
        %jit3A_334 = arith.constant 0.000000e+00 : f32
        %broadcast_in_dim3A_335 = vector.broadcast %jit3A_334 : f32 to vector<16xf32>
        %select_n3A_336 = arith.select %eq3A_333, %get3A_328, %broadcast_in_dim3A_335 : vector<16xi1>, vector<16xf32>
        %add3A_337 = arith.addf %add3A_321, %select_n3A_336 : vector<16xf32>
        %mul3A_338 = arith.constant 16 : i32
        %mul3A_339 = arith.muli %scan3A_78, %mul3A_338 : i32
        %get3A_340 = arith.constant 16 : i32
        %get3A_341 = arith.index_cast %get3A_340 : i32 to index
        %get3A_342 = arith.index_cast %mul3A_339 : i32 to index
        %get3A_343 = tpu.vector_load %arg6[%get3A_341, %get3A_342] {strides = array<i32>} : memref<32x1024xf32, #tpu.memory_space<vmem>>, vector<1x16xf32>,
        %get3A_344 = vector.shape_cast %get3A_343 : vector<1x16xf32> to vector<16xf32>
        %add3A_345 = arith.addf %add3A_329, %get3A_344 : vector<16xf32>
        %add3A_346 = arith.constant 16 : i32
        %add3A_347 = arith.addi %multiple_of3A_41, %add3A_346 : i32
        %eq3A_348 = vector.broadcast %add3A_347 : i32 to vector<16xi32>
        %eq3A_349 = arith.cmpi eq, %get3A_84, %eq3A_348 : vector<16xi32>
        %jit3A_350 = arith.constant 0.000000e+00 : f32
        %broadcast_in_dim3A_351 = vector.broadcast %jit3A_350 : f32 to vector<16xf32>
        %select_n3A_352 = arith.select %eq3A_349, %get3A_344, %broadcast_in_dim3A_351 : vector<16xi1>, vector<16xf32>
        %add3A_353 = arith.addf %add3A_337, %select_n3A_352 : vector<16xf32>
        %mul3A_354 = arith.constant 16 : i32
        %mul3A_355 = arith.muli %scan3A_78, %mul3A_354 : i32
        %get3A_356 = arith.constant 17 : i32
        %get3A_357 = arith.index_cast %get3A_356 : i32 to index
        %get3A_358 = arith.index_cast %mul3A_355 : i32 to index
        %get3A_359 = tpu.vector_load %arg6[%get3A_357, %get3A_358] {strides = array<i32>} : memref<32x1024xf32, #tpu.memory_space<vmem>>, vector<1x16xf32>,
        %get3A_360 = vector.shape_cast %get3A_359 : vector<1x16xf32> to vector<16xf32>
        %add3A_361 = arith.addf %add3A_345, %get3A_360 : vector<16xf32>
        %add3A_362 = arith.constant 17 : i32
        %add3A_363 = arith.addi %multiple_of3A_41, %add3A_362 : i32
        %eq3A_364 = vector.broadcast %add3A_363 : i32 to vector<16xi32>
        %eq3A_365 = arith.cmpi eq, %get3A_84, %eq3A_364 : vector<16xi32>
        %jit3A_366 = arith.constant 0.000000e+00 : f32
        %broadcast_in_dim3A_367 = vector.broadcast %jit3A_366 : f32 to vector<16xf32>
        %select_n3A_368 = arith.select %eq3A_365, %get3A_360, %broadcast_in_dim3A_367 : vector<16xi1>, vector<16xf32>
        %add3A_369 = arith.addf %add3A_353, %select_n3A_368 : vector<16xf32>
        %mul3A_370 = arith.constant 16 : i32
        %mul3A_371 = arith.muli %scan3A_78, %mul3A_370 : i32
        %get3A_372 = arith.constant 18 : i32
        %get3A_373 = arith.index_cast %get3A_372 : i32 to index
        %get3A_374 = arith.index_cast %mul3A_371 : i32 to index
        %get3A_375 = tpu.vector_load %arg6[%get3A_373, %get3A_374] {strides = array<i32>} : memref<32x1024xf32, #tpu.memory_space<vmem>>, vector<1x16xf32>,
        %get3A_376 = vector.shape_cast %get3A_375 : vector<1x16xf32> to vector<16xf32>
        %add3A_377 = arith.addf %add3A_361, %get3A_376 : vector<16xf32>
        %add3A_378 = arith.constant 18 : i32
        %add3A_379 = arith.addi %multiple_of3A_41, %add3A_378 : i32
        %eq3A_380 = vector.broadcast %add3A_379 : i32 to vector<16xi32>
        %eq3A_381 = arith.cmpi eq, %get3A_84, %eq3A_380 : vector<16xi32>
        %jit3A_382 = arith.constant 0.000000e+00 : f32
        %broadcast_in_dim3A_383 = vector.broadcast %jit3A_382 : f32 to vector<16xf32>
        %select_n3A_384 = arith.select %eq3A_381, %get3A_376, %broadcast_in_dim3A_383 : vector<16xi1>, vector<16xf32>
        %add3A_385 = arith.addf %add3A_369, %select_n3A_384 : vector<16xf32>
        %mul3A_386 = arith.constant 16 : i32
        %mul3A_387 = arith.muli %scan3A_78, %mul3A_386 : i32
        %get3A_388 = arith.constant 19 : i32
        %get3A_389 = arith.index_cast %get3A_388 : i32 to index
        %get3A_390 = arith.index_cast %mul3A_387 : i32 to index
        %get3A_391 = tpu.vector_load %arg6[%get3A_389, %get3A_390] {strides = array<i32>} : memref<32x1024xf32, #tpu.memory_space<vmem>>, vector<1x16xf32>,
        %get3A_392 = vector.shape_cast %get3A_391 : vector<1x16xf32> to vector<16xf32>
        %add3A_393 = arith.addf %add3A_377, %get3A_392 : vector<16xf32>
        %add3A_394 = arith.constant 19 : i32
        %add3A_395 = arith.addi %multiple_of3A_41, %add3A_394 : i32
        %eq3A_396 = vector.broadcast %add3A_395 : i32 to vector<16xi32>
        %eq3A_397 = arith.cmpi eq, %get3A_84, %eq3A_396 : vector<16xi32>
        %jit3A_398 = arith.constant 0.000000e+00 : f32
        %broadcast_in_dim3A_399 = vector.broadcast %jit3A_398 : f32 to vector<16xf32>
        %select_n3A_400 = arith.select %eq3A_397, %get3A_392, %broadcast_in_dim3A_399 : vector<16xi1>, vector<16xf32>
        %add3A_401 = arith.addf %add3A_385, %select_n3A_400 : vector<16xf32>
        %mul3A_402 = arith.constant 16 : i32
        %mul3A_403 = arith.muli %scan3A_78, %mul3A_402 : i32
        %get3A_404 = arith.constant 20 : i32
        %get3A_405 = arith.index_cast %get3A_404 : i32 to index
        %get3A_406 = arith.index_cast %mul3A_403 : i32 to index
        %get3A_407 = tpu.vector_load %arg6[%get3A_405, %get3A_406] {strides = array<i32>} : memref<32x1024xf32, #tpu.memory_space<vmem>>, vector<1x16xf32>,
        %get3A_408 = vector.shape_cast %get3A_407 : vector<1x16xf32> to vector<16xf32>
        %add3A_409 = arith.addf %add3A_393, %get3A_408 : vector<16xf32>
        %add3A_410 = arith.constant 20 : i32
        %add3A_411 = arith.addi %multiple_of3A_41, %add3A_410 : i32
        %eq3A_412 = vector.broadcast %add3A_411 : i32 to vector<16xi32>
        %eq3A_413 = arith.cmpi eq, %get3A_84, %eq3A_412 : vector<16xi32>
        %jit3A_414 = arith.constant 0.000000e+00 : f32
        %broadcast_in_dim3A_415 = vector.broadcast %jit3A_414 : f32 to vector<16xf32>
        %select_n3A_416 = arith.select %eq3A_413, %get3A_408, %broadcast_in_dim3A_415 : vector<16xi1>, vector<16xf32>
        %add3A_417 = arith.addf %add3A_401, %select_n3A_416 : vector<16xf32>
        %mul3A_418 = arith.constant 16 : i32
        %mul3A_419 = arith.muli %scan3A_78, %mul3A_418 : i32
        %get3A_420 = arith.constant 21 : i32
        %get3A_421 = arith.index_cast %get3A_420 : i32 to index
        %get3A_422 = arith.index_cast %mul3A_419 : i32 to index
        %get3A_423 = tpu.vector_load %arg6[%get3A_421, %get3A_422] {strides = array<i32>} : memref<32x1024xf32, #tpu.memory_space<vmem>>, vector<1x16xf32>,
        %get3A_424 = vector.shape_cast %get3A_423 : vector<1x16xf32> to vector<16xf32>
        %add3A_425 = arith.addf %add3A_409, %get3A_424 : vector<16xf32>
        %add3A_426 = arith.constant 21 : i32
        %add3A_427 = arith.addi %multiple_of3A_41, %add3A_426 : i32
        %eq3A_428 = vector.broadcast %add3A_427 : i32 to vector<16xi32>
        %eq3A_429 = arith.cmpi eq, %get3A_84, %eq3A_428 : vector<16xi32>
        %jit3A_430 = arith.constant 0.000000e+00 : f32
        %broadcast_in_dim3A_431 = vector.broadcast %jit3A_430 : f32 to vector<16xf32>
        %select_n3A_432 = arith.select %eq3A_429, %get3A_424, %broadcast_in_dim3A_431 : vector<16xi1>, vector<16xf32>
        %add3A_433 = arith.addf %add3A_417, %select_n3A_432 : vector<16xf32>
        %mul3A_434 = arith.constant 16 : i32
        %mul3A_435 = arith.muli %scan3A_78, %mul3A_434 : i32
        %get3A_436 = arith.constant 22 : i32
        %get3A_437 = arith.index_cast %get3A_436 : i32 to index
        %get3A_438 = arith.index_cast %mul3A_435 : i32 to index
        %get3A_439 = tpu.vector_load %arg6[%get3A_437, %get3A_438] {strides = array<i32>} : memref<32x1024xf32, #tpu.memory_space<vmem>>, vector<1x16xf32>,
        %get3A_440 = vector.shape_cast %get3A_439 : vector<1x16xf32> to vector<16xf32>
        %add3A_441 = arith.addf %add3A_425, %get3A_440 : vector<16xf32>
        %add3A_442 = arith.constant 22 : i32
        %add3A_443 = arith.addi %multiple_of3A_41, %add3A_442 : i32
        %eq3A_444 = vector.broadcast %add3A_443 : i32 to vector<16xi32>
        %eq3A_445 = arith.cmpi eq, %get3A_84, %eq3A_444 : vector<16xi32>
        %jit3A_446 = arith.constant 0.000000e+00 : f32
        %broadcast_in_dim3A_447 = vector.broadcast %jit3A_446 : f32 to vector<16xf32>
        %select_n3A_448 = arith.select %eq3A_445, %get3A_440, %broadcast_in_dim3A_447 : vector<16xi1>, vector<16xf32>
        %add3A_449 = arith.addf %add3A_433, %select_n3A_448 : vector<16xf32>
        %mul3A_450 = arith.constant 16 : i32
        %mul3A_451 = arith.muli %scan3A_78, %mul3A_450 : i32
        %get3A_452 = arith.constant 23 : i32
        %get3A_453 = arith.index_cast %get3A_452 : i32 to index
        %get3A_454 = arith.index_cast %mul3A_451 : i32 to index
        %get3A_455 = tpu.vector_load %arg6[%get3A_453, %get3A_454] {strides = array<i32>} : memref<32x1024xf32, #tpu.memory_space<vmem>>, vector<1x16xf32>,
        %get3A_456 = vector.shape_cast %get3A_455 : vector<1x16xf32> to vector<16xf32>
        %add3A_457 = arith.addf %add3A_441, %get3A_456 : vector<16xf32>
        %add3A_458 = arith.constant 23 : i32
        %add3A_459 = arith.addi %multiple_of3A_41, %add3A_458 : i32
        %eq3A_460 = vector.broadcast %add3A_459 : i32 to vector<16xi32>
        %eq3A_461 = arith.cmpi eq, %get3A_84, %eq3A_460 : vector<16xi32>
        %jit3A_462 = arith.constant 0.000000e+00 : f32
        %broadcast_in_dim3A_463 = vector.broadcast %jit3A_462 : f32 to vector<16xf32>
        %select_n3A_464 = arith.select %eq3A_461, %get3A_456, %broadcast_in_dim3A_463 : vector<16xi1>, vector<16xf32>
        %add3A_465 = arith.addf %add3A_449, %select_n3A_464 : vector<16xf32>
        %mul3A_466 = arith.constant 16 : i32
        %mul3A_467 = arith.muli %scan3A_78, %mul3A_466 : i32
        %get3A_468 = arith.constant 24 : i32
        %get3A_469 = arith.index_cast %get3A_468 : i32 to index
        %get3A_470 = arith.index_cast %mul3A_467 : i32 to index
        %get3A_471 = tpu.vector_load %arg6[%get3A_469, %get3A_470] {strides = array<i32>} : memref<32x1024xf32, #tpu.memory_space<vmem>>, vector<1x16xf32>,
        %get3A_472 = vector.shape_cast %get3A_471 : vector<1x16xf32> to vector<16xf32>
        %add3A_473 = arith.addf %add3A_457, %get3A_472 : vector<16xf32>
        %add3A_474 = arith.constant 24 : i32
        %add3A_475 = arith.addi %multiple_of3A_41, %add3A_474 : i32
        %eq3A_476 = vector.broadcast %add3A_475 : i32 to vector<16xi32>
        %eq3A_477 = arith.cmpi eq, %get3A_84, %eq3A_476 : vector<16xi32>
        %jit3A_478 = arith.constant 0.000000e+00 : f32
        %broadcast_in_dim3A_479 = vector.broadcast %jit3A_478 : f32 to vector<16xf32>
        %select_n3A_480 = arith.select %eq3A_477, %get3A_472, %broadcast_in_dim3A_479 : vector<16xi1>, vector<16xf32>
        %add3A_481 = arith.addf %add3A_465, %select_n3A_480 : vector<16xf32>
        %mul3A_482 = arith.constant 16 : i32
        %mul3A_483 = arith.muli %scan3A_78, %mul3A_482 : i32
        %get3A_484 = arith.constant 25 : i32
        %get3A_485 = arith.index_cast %get3A_484 : i32 to index
        %get3A_486 = arith.index_cast %mul3A_483 : i32 to index
        %get3A_487 = tpu.vector_load %arg6[%get3A_485, %get3A_486] {strides = array<i32>} : memref<32x1024xf32, #tpu.memory_space<vmem>>, vector<1x16xf32>,
        %get3A_488 = vector.shape_cast %get3A_487 : vector<1x16xf32> to vector<16xf32>
        %add3A_489 = arith.addf %add3A_473, %get3A_488 : vector<16xf32>
        %add3A_490 = arith.constant 25 : i32
        %add3A_491 = arith.addi %multiple_of3A_41, %add3A_490 : i32
        %eq3A_492 = vector.broadcast %add3A_491 : i32 to vector<16xi32>
        %eq3A_493 = arith.cmpi eq, %get3A_84, %eq3A_492 : vector<16xi32>
        %jit3A_494 = arith.constant 0.000000e+00 : f32
        %broadcast_in_dim3A_495 = vector.broadcast %jit3A_494 : f32 to vector<16xf32>
        %select_n3A_496 = arith.select %eq3A_493, %get3A_488, %broadcast_in_dim3A_495 : vector<16xi1>, vector<16xf32>
        %add3A_497 = arith.addf %add3A_481, %select_n3A_496 : vector<16xf32>
        %mul3A_498 = arith.constant 16 : i32
        %mul3A_499 = arith.muli %scan3A_78, %mul3A_498 : i32
        %get3A_500 = arith.constant 26 : i32
        %get3A_501 = arith.index_cast %get3A_500 : i32 to index
        %get3A_502 = arith.index_cast %mul3A_499 : i32 to index
        %get3A_503 = tpu.vector_load %arg6[%get3A_501, %get3A_502] {strides = array<i32>} : memref<32x1024xf32, #tpu.memory_space<vmem>>, vector<1x16xf32>,
        %get3A_504 = vector.shape_cast %get3A_503 : vector<1x16xf32> to vector<16xf32>
        %add3A_505 = arith.addf %add3A_489, %get3A_504 : vector<16xf32>
        %add3A_506 = arith.constant 26 : i32
        %add3A_507 = arith.addi %multiple_of3A_41, %add3A_506 : i32
        %eq3A_508 = vector.broadcast %add3A_507 : i32 to vector<16xi32>
        %eq3A_509 = arith.cmpi eq, %get3A_84, %eq3A_508 : vector<16xi32>
        %jit3A_510 = arith.constant 0.000000e+00 : f32
        %broadcast_in_dim3A_511 = vector.broadcast %jit3A_510 : f32 to vector<16xf32>
        %select_n3A_512 = arith.select %eq3A_509, %get3A_504, %broadcast_in_dim3A_511 : vector<16xi1>, vector<16xf32>
        %add3A_513 = arith.addf %add3A_497, %select_n3A_512 : vector<16xf32>
        %mul3A_514 = arith.constant 16 : i32
        %mul3A_515 = arith.muli %scan3A_78, %mul3A_514 : i32
        %get3A_516 = arith.constant 27 : i32
        %get3A_517 = arith.index_cast %get3A_516 : i32 to index
        %get3A_518 = arith.index_cast %mul3A_515 : i32 to index
        %get3A_519 = tpu.vector_load %arg6[%get3A_517, %get3A_518] {strides = array<i32>} : memref<32x1024xf32, #tpu.memory_space<vmem>>, vector<1x16xf32>,
        %get3A_520 = vector.shape_cast %get3A_519 : vector<1x16xf32> to vector<16xf32>
        %add3A_521 = arith.addf %add3A_505, %get3A_520 : vector<16xf32>
        %add3A_522 = arith.constant 27 : i32
        %add3A_523 = arith.addi %multiple_of3A_41, %add3A_522 : i32
        %eq3A_524 = vector.broadcast %add3A_523 : i32 to vector<16xi32>
        %eq3A_525 = arith.cmpi eq, %get3A_84, %eq3A_524 : vector<16xi32>
        %jit3A_526 = arith.constant 0.000000e+00 : f32
        %broadcast_in_dim3A_527 = vector.broadcast %jit3A_526 : f32 to vector<16xf32>
        %select_n3A_528 = arith.select %eq3A_525, %get3A_520, %broadcast_in_dim3A_527 : vector<16xi1>, vector<16xf32>
        %add3A_529 = arith.addf %add3A_513, %select_n3A_528 : vector<16xf32>
        %mul3A_530 = arith.constant 16 : i32
        %mul3A_531 = arith.muli %scan3A_78, %mul3A_530 : i32
        %get3A_532 = arith.constant 28 : i32
        %get3A_533 = arith.index_cast %get3A_532 : i32 to index
        %get3A_534 = arith.index_cast %mul3A_531 : i32 to index
        %get3A_535 = tpu.vector_load %arg6[%get3A_533, %get3A_534] {strides = array<i32>} : memref<32x1024xf32, #tpu.memory_space<vmem>>, vector<1x16xf32>,
        %get3A_536 = vector.shape_cast %get3A_535 : vector<1x16xf32> to vector<16xf32>
        %add3A_537 = arith.addf %add3A_521, %get3A_536 : vector<16xf32>
        %add3A_538 = arith.constant 28 : i32
        %add3A_539 = arith.addi %multiple_of3A_41, %add3A_538 : i32
        %eq3A_540 = vector.broadcast %add3A_539 : i32 to vector<16xi32>
        %eq3A_541 = arith.cmpi eq, %get3A_84, %eq3A_540 : vector<16xi32>
        %jit3A_542 = arith.constant 0.000000e+00 : f32
        %broadcast_in_dim3A_543 = vector.broadcast %jit3A_542 : f32 to vector<16xf32>
        %select_n3A_544 = arith.select %eq3A_541, %get3A_536, %broadcast_in_dim3A_543 : vector<16xi1>, vector<16xf32>
        %add3A_545 = arith.addf %add3A_529, %select_n3A_544 : vector<16xf32>
        %mul3A_546 = arith.constant 16 : i32
        %mul3A_547 = arith.muli %scan3A_78, %mul3A_546 : i32
        %get3A_548 = arith.constant 29 : i32
        %get3A_549 = arith.index_cast %get3A_548 : i32 to index
        %get3A_550 = arith.index_cast %mul3A_547 : i32 to index
        %get3A_551 = tpu.vector_load %arg6[%get3A_549, %get3A_550] {strides = array<i32>} : memref<32x1024xf32, #tpu.memory_space<vmem>>, vector<1x16xf32>,
        %get3A_552 = vector.shape_cast %get3A_551 : vector<1x16xf32> to vector<16xf32>
        %add3A_553 = arith.addf %add3A_537, %get3A_552 : vector<16xf32>
        %add3A_554 = arith.constant 29 : i32
        %add3A_555 = arith.addi %multiple_of3A_41, %add3A_554 : i32
        %eq3A_556 = vector.broadcast %add3A_555 : i32 to vector<16xi32>
        %eq3A_557 = arith.cmpi eq, %get3A_84, %eq3A_556 : vector<16xi32>
        %jit3A_558 = arith.constant 0.000000e+00 : f32
        %broadcast_in_dim3A_559 = vector.broadcast %jit3A_558 : f32 to vector<16xf32>
        %select_n3A_560 = arith.select %eq3A_557, %get3A_552, %broadcast_in_dim3A_559 : vector<16xi1>, vector<16xf32>
        %add3A_561 = arith.addf %add3A_545, %select_n3A_560 : vector<16xf32>
        %mul3A_562 = arith.constant 16 : i32
        %mul3A_563 = arith.muli %scan3A_78, %mul3A_562 : i32
        %get3A_564 = arith.constant 30 : i32
        %get3A_565 = arith.index_cast %get3A_564 : i32 to index
        %get3A_566 = arith.index_cast %mul3A_563 : i32 to index
        %get3A_567 = tpu.vector_load %arg6[%get3A_565, %get3A_566] {strides = array<i32>} : memref<32x1024xf32, #tpu.memory_space<vmem>>, vector<1x16xf32>,
        %get3A_568 = vector.shape_cast %get3A_567 : vector<1x16xf32> to vector<16xf32>
        %add3A_569 = arith.addf %add3A_553, %get3A_568 : vector<16xf32>
        %add3A_570 = arith.constant 30 : i32
        %add3A_571 = arith.addi %multiple_of3A_41, %add3A_570 : i32
        %eq3A_572 = vector.broadcast %add3A_571 : i32 to vector<16xi32>
        %eq3A_573 = arith.cmpi eq, %get3A_84, %eq3A_572 : vector<16xi32>
        %jit3A_574 = arith.constant 0.000000e+00 : f32
        %broadcast_in_dim3A_575 = vector.broadcast %jit3A_574 : f32 to vector<16xf32>
        %select_n3A_576 = arith.select %eq3A_573, %get3A_568, %broadcast_in_dim3A_575 : vector<16xi1>, vector<16xf32>
        %add3A_577 = arith.addf %add3A_561, %select_n3A_576 : vector<16xf32>
        %mul3A_578 = arith.constant 16 : i32
        %mul3A_579 = arith.muli %scan3A_78, %mul3A_578 : i32
        %get3A_580 = arith.constant 31 : i32
        %get3A_581 = arith.index_cast %get3A_580 : i32 to index
        %get3A_582 = arith.index_cast %mul3A_579 : i32 to index
        %get3A_583 = tpu.vector_load %arg6[%get3A_581, %get3A_582] {strides = array<i32>} : memref<32x1024xf32, #tpu.memory_space<vmem>>, vector<1x16xf32>,
        %get3A_584 = vector.shape_cast %get3A_583 : vector<1x16xf32> to vector<16xf32>
        %add3A_585 = arith.addf %add3A_569, %get3A_584 : vector<16xf32>
        %add3A_586 = arith.constant 31 : i32
        %add3A_587 = arith.addi %multiple_of3A_41, %add3A_586 : i32
        %eq3A_588 = vector.broadcast %add3A_587 : i32 to vector<16xi32>
        %eq3A_589 = arith.cmpi eq, %get3A_84, %eq3A_588 : vector<16xi32>
        %jit3A_590 = arith.constant 0.000000e+00 : f32
        %broadcast_in_dim3A_591 = vector.broadcast %jit3A_590 : f32 to vector<16xf32>
        %select_n3A_592 = arith.select %eq3A_589, %get3A_584, %broadcast_in_dim3A_591 : vector<16xi1>, vector<16xf32>
        %add3A_593 = arith.addf %add3A_577, %select_n3A_592 : vector<16xf32>
        scf.yield %add3A_585, %add3A_593 : vector<16xf32>, vector<16xf32>
      }
      %scan3A_50 = arith.constant 64 : i32
      %add3A_51 = arith.constant 2 : i32
      %add3A_52 = arith.addi %mul3A_37, %add3A_51 : i32
      %lt3A = arith.constant 46 : i32
      %lt3A_53 = arith.cmpi slt, %add3A_52, %lt3A : i32
      %convert_element_type3A = arith.extui %lt3A_53 : i1 to i32
      %cond3A = arith.constant 0 : i32
      %cond3A_54 = arith.cmpi ne, %convert_element_type3A, %cond3A : i32
      scf.if %cond3A_54 {
        %add3A_78 = arith.constant 2 : i32
        %add3A_79 = arith.addi %mul3A_37, %add3A_78 : i32
        %mul3A_80 = arith.constant 32 : i32
        %mul3A_81 = arith.muli %add3A_79, %mul3A_80 : i32
        %add3A_82 = arith.addi %mul3A_2, %mul3A_81 : i32
        %multiple_of3A_83 = tpu.assume_multiple %add3A_82, 8 : i32
        %dma_start3A_84 = arith.constant 0 : i32
        %dma_start3A_85 = tpu.memref_slice %arg2[%multiple_of3A_83, %dma_start3A_84] : memref<100000x1024xf32, #tpu.memory_space<hbm>> -> memref<32x1024xf32, #tpu.memory_space<hbm>>
        %dma_start3A_86 = arith.constant 0 : i32
        %dma_start3A_87 = tpu.memref_slice %arg2[%multiple_of3A_83, %dma_start3A_86] : memref<100000x1024xf32, #tpu.memory_space<hbm>> -> memref<32x1024xf32, #tpu.memory_space<hbm>>
        tpu.enqueue_dma source(%dma_start3A_87 : memref<32x1024xf32, #tpu.memory_space<hbm>>) target(%arg6 : memref<32x1024xf32, #tpu.memory_space<vmem>>) target_semaphore(%arg9 : memref<!tpu.dma_semaphore, #tpu.memory_space<semaphore_mem>>)
      } else {
      }
      %add3A_55 = arith.constant 1 : i32
      %add3A_56 = arith.addi %mul3A_37, %add3A_55 : i32
      %mul3A_57 = arith.constant 32 : i32
      %mul3A_58 = arith.muli %add3A_56, %mul3A_57 : i32
      %add3A_59 = arith.addi %mul3A_2, %mul3A_58 : i32
      %multiple_of3A_60 = tpu.assume_multiple %add3A_59, 8 : i32
      %dma_wait3A_61 = arith.constant 0 : i32
      %dma_wait3A_62 = tpu.memref_slice %arg2[%multiple_of3A_60, %dma_wait3A_61] : memref<100000x1024xf32, #tpu.memory_space<hbm>> -> memref<32x1024xf32, #tpu.memory_space<hbm>>
      %dma_wait3A_63 = arith.constant 0 : i32
      %dma_wait3A_64 = tpu.memref_slice %arg2[%multiple_of3A_60, %dma_wait3A_63] : memref<100000x1024xf32, #tpu.memory_space<hbm>> -> memref<32x1024xf32, #tpu.memory_space<hbm>>
      tpu.wait_dma2 semaphore(%arg10 : memref<!tpu.dma_semaphore, #tpu.memory_space<semaphore_mem>>) src(%dma_wait3A_64 : memref<32x1024xf32, #tpu.memory_space<hbm>>) dst(%arg7 : memref<32x1024xf32, #tpu.memory_space<vmem>>)
      %scan3A_65 = arith.constant 0 : i32
      %scan3A_66 = arith.constant 64 : i32
      %scan3A_67 = arith.addi %scan3A_65, %scan3A_66 : i32
      %scan3A_68 = arith.constant 1 : i32
      %scan3A_69:2 = scf.for %scan3A_78 = %scan3A_65 to %scan3A_67 step %scan3A_68 iter_args(%scan3A_79 = %scan3A_49#0, %scan3A_80 = %scan3A_49#1) -> (vector<16xf32>, vector<16xf32>)  : i32 {
        %mul3A_81 = arith.constant 16 : i32
        %mul3A_82 = arith.muli %scan3A_78, %mul3A_81 : i32
        %get3A = arith.index_cast %mul3A_82 : i32 to index
        %get3A_83 = tpu.vector_load %arg5[%get3A] {strides = array<i32>} : memref<1024xi32, #tpu.memory_space<vmem>>, vector<16xi32>,
        %get3A_84 = vector.shape_cast %get3A_83 : vector<16xi32> to vector<16xi32>
        %mul3A_85 = arith.constant 16 : i32
        %mul3A_86 = arith.muli %scan3A_78, %mul3A_85 : i32
        %get3A_87 = arith.constant 0 : i32
        %get3A_88 = arith.index_cast %get3A_87 : i32 to index
        %get3A_89 = arith.index_cast %mul3A_86 : i32 to index
        %get3A_90 = tpu.vector_load %arg7[%get3A_88, %get3A_89] {strides = array<i32>} : memref<32x1024xf32, #tpu.memory_space<vmem>>, vector<1x16xf32>,
        %get3A_91 = vector.shape_cast %get3A_90 : vector<1x16xf32> to vector<16xf32>
        %add3A_92 = arith.addf %scan3A_79, %get3A_91 : vector<16xf32>
        %add3A_93 = arith.constant 0 : i32
        %add3A_94 = arith.addi %multiple_of3A_60, %add3A_93 : i32
        %eq3A = vector.broadcast %add3A_94 : i32 to vector<16xi32>
        %eq3A_95 = arith.cmpi eq, %get3A_84, %eq3A : vector<16xi32>
        %jit3A = arith.constant 0.000000e+00 : f32
        %broadcast_in_dim3A_96 = vector.broadcast %jit3A : f32 to vector<16xf32>
        %select_n3A = arith.select %eq3A_95, %get3A_91, %broadcast_in_dim3A_96 : vector<16xi1>, vector<16xf32>
        %add3A_97 = arith.addf %scan3A_80, %select_n3A : vector<16xf32>
        %mul3A_98 = arith.constant 16 : i32
        %mul3A_99 = arith.muli %scan3A_78, %mul3A_98 : i32
        %get3A_100 = arith.constant 1 : i32
        %get3A_101 = arith.index_cast %get3A_100 : i32 to index
        %get3A_102 = arith.index_cast %mul3A_99 : i32 to index
        %get3A_103 = tpu.vector_load %arg7[%get3A_101, %get3A_102] {strides = array<i32>} : memref<32x1024xf32, #tpu.memory_space<vmem>>, vector<1x16xf32>,
        %get3A_104 = vector.shape_cast %get3A_103 : vector<1x16xf32> to vector<16xf32>
        %add3A_105 = arith.addf %add3A_92, %get3A_104 : vector<16xf32>
        %add3A_106 = arith.constant 1 : i32
        %add3A_107 = arith.addi %multiple_of3A_60, %add3A_106 : i32
        %eq3A_108 = vector.broadcast %add3A_107 : i32 to vector<16xi32>
        %eq3A_109 = arith.cmpi eq, %get3A_84, %eq3A_108 : vector<16xi32>
        %jit3A_110 = arith.constant 0.000000e+00 : f32
        %broadcast_in_dim3A_111 = vector.broadcast %jit3A_110 : f32 to vector<16xf32>
        %select_n3A_112 = arith.select %eq3A_109, %get3A_104, %broadcast_in_dim3A_111 : vector<16xi1>, vector<16xf32>
        %add3A_113 = arith.addf %add3A_97, %select_n3A_112 : vector<16xf32>
        %mul3A_114 = arith.constant 16 : i32
        %mul3A_115 = arith.muli %scan3A_78, %mul3A_114 : i32
        %get3A_116 = arith.constant 2 : i32
        %get3A_117 = arith.index_cast %get3A_116 : i32 to index
        %get3A_118 = arith.index_cast %mul3A_115 : i32 to index
        %get3A_119 = tpu.vector_load %arg7[%get3A_117, %get3A_118] {strides = array<i32>} : memref<32x1024xf32, #tpu.memory_space<vmem>>, vector<1x16xf32>,
        %get3A_120 = vector.shape_cast %get3A_119 : vector<1x16xf32> to vector<16xf32>
        %add3A_121 = arith.addf %add3A_105, %get3A_120 : vector<16xf32>
        %add3A_122 = arith.constant 2 : i32
        %add3A_123 = arith.addi %multiple_of3A_60, %add3A_122 : i32
        %eq3A_124 = vector.broadcast %add3A_123 : i32 to vector<16xi32>
        %eq3A_125 = arith.cmpi eq, %get3A_84, %eq3A_124 : vector<16xi32>
        %jit3A_126 = arith.constant 0.000000e+00 : f32
        %broadcast_in_dim3A_127 = vector.broadcast %jit3A_126 : f32 to vector<16xf32>
        %select_n3A_128 = arith.select %eq3A_125, %get3A_120, %broadcast_in_dim3A_127 : vector<16xi1>, vector<16xf32>
        %add3A_129 = arith.addf %add3A_113, %select_n3A_128 : vector<16xf32>
        %mul3A_130 = arith.constant 16 : i32
        %mul3A_131 = arith.muli %scan3A_78, %mul3A_130 : i32
        %get3A_132 = arith.constant 3 : i32
        %get3A_133 = arith.index_cast %get3A_132 : i32 to index
        %get3A_134 = arith.index_cast %mul3A_131 : i32 to index
        %get3A_135 = tpu.vector_load %arg7[%get3A_133, %get3A_134] {strides = array<i32>} : memref<32x1024xf32, #tpu.memory_space<vmem>>, vector<1x16xf32>,
        %get3A_136 = vector.shape_cast %get3A_135 : vector<1x16xf32> to vector<16xf32>
        %add3A_137 = arith.addf %add3A_121, %get3A_136 : vector<16xf32>
        %add3A_138 = arith.constant 3 : i32
        %add3A_139 = arith.addi %multiple_of3A_60, %add3A_138 : i32
        %eq3A_140 = vector.broadcast %add3A_139 : i32 to vector<16xi32>
        %eq3A_141 = arith.cmpi eq, %get3A_84, %eq3A_140 : vector<16xi32>
        %jit3A_142 = arith.constant 0.000000e+00 : f32
        %broadcast_in_dim3A_143 = vector.broadcast %jit3A_142 : f32 to vector<16xf32>
        %select_n3A_144 = arith.select %eq3A_141, %get3A_136, %broadcast_in_dim3A_143 : vector<16xi1>, vector<16xf32>
        %add3A_145 = arith.addf %add3A_129, %select_n3A_144 : vector<16xf32>
        %mul3A_146 = arith.constant 16 : i32
        %mul3A_147 = arith.muli %scan3A_78, %mul3A_146 : i32
        %get3A_148 = arith.constant 4 : i32
        %get3A_149 = arith.index_cast %get3A_148 : i32 to index
        %get3A_150 = arith.index_cast %mul3A_147 : i32 to index
        %get3A_151 = tpu.vector_load %arg7[%get3A_149, %get3A_150] {strides = array<i32>} : memref<32x1024xf32, #tpu.memory_space<vmem>>, vector<1x16xf32>,
        %get3A_152 = vector.shape_cast %get3A_151 : vector<1x16xf32> to vector<16xf32>
        %add3A_153 = arith.addf %add3A_137, %get3A_152 : vector<16xf32>
        %add3A_154 = arith.constant 4 : i32
        %add3A_155 = arith.addi %multiple_of3A_60, %add3A_154 : i32
        %eq3A_156 = vector.broadcast %add3A_155 : i32 to vector<16xi32>
        %eq3A_157 = arith.cmpi eq, %get3A_84, %eq3A_156 : vector<16xi32>
        %jit3A_158 = arith.constant 0.000000e+00 : f32
        %broadcast_in_dim3A_159 = vector.broadcast %jit3A_158 : f32 to vector<16xf32>
        %select_n3A_160 = arith.select %eq3A_157, %get3A_152, %broadcast_in_dim3A_159 : vector<16xi1>, vector<16xf32>
        %add3A_161 = arith.addf %add3A_145, %select_n3A_160 : vector<16xf32>
        %mul3A_162 = arith.constant 16 : i32
        %mul3A_163 = arith.muli %scan3A_78, %mul3A_162 : i32
        %get3A_164 = arith.constant 5 : i32
        %get3A_165 = arith.index_cast %get3A_164 : i32 to index
        %get3A_166 = arith.index_cast %mul3A_163 : i32 to index
        %get3A_167 = tpu.vector_load %arg7[%get3A_165, %get3A_166] {strides = array<i32>} : memref<32x1024xf32, #tpu.memory_space<vmem>>, vector<1x16xf32>,
        %get3A_168 = vector.shape_cast %get3A_167 : vector<1x16xf32> to vector<16xf32>
        %add3A_169 = arith.addf %add3A_153, %get3A_168 : vector<16xf32>
        %add3A_170 = arith.constant 5 : i32
        %add3A_171 = arith.addi %multiple_of3A_60, %add3A_170 : i32
        %eq3A_172 = vector.broadcast %add3A_171 : i32 to vector<16xi32>
        %eq3A_173 = arith.cmpi eq, %get3A_84, %eq3A_172 : vector<16xi32>
        %jit3A_174 = arith.constant 0.000000e+00 : f32
        %broadcast_in_dim3A_175 = vector.broadcast %jit3A_174 : f32 to vector<16xf32>
        %select_n3A_176 = arith.select %eq3A_173, %get3A_168, %broadcast_in_dim3A_175 : vector<16xi1>, vector<16xf32>
        %add3A_177 = arith.addf %add3A_161, %select_n3A_176 : vector<16xf32>
        %mul3A_178 = arith.constant 16 : i32
        %mul3A_179 = arith.muli %scan3A_78, %mul3A_178 : i32
        %get3A_180 = arith.constant 6 : i32
        %get3A_181 = arith.index_cast %get3A_180 : i32 to index
        %get3A_182 = arith.index_cast %mul3A_179 : i32 to index
        %get3A_183 = tpu.vector_load %arg7[%get3A_181, %get3A_182] {strides = array<i32>} : memref<32x1024xf32, #tpu.memory_space<vmem>>, vector<1x16xf32>,
        %get3A_184 = vector.shape_cast %get3A_183 : vector<1x16xf32> to vector<16xf32>
        %add3A_185 = arith.addf %add3A_169, %get3A_184 : vector<16xf32>
        %add3A_186 = arith.constant 6 : i32
        %add3A_187 = arith.addi %multiple_of3A_60, %add3A_186 : i32
        %eq3A_188 = vector.broadcast %add3A_187 : i32 to vector<16xi32>
        %eq3A_189 = arith.cmpi eq, %get3A_84, %eq3A_188 : vector<16xi32>
        %jit3A_190 = arith.constant 0.000000e+00 : f32
        %broadcast_in_dim3A_191 = vector.broadcast %jit3A_190 : f32 to vector<16xf32>
        %select_n3A_192 = arith.select %eq3A_189, %get3A_184, %broadcast_in_dim3A_191 : vector<16xi1>, vector<16xf32>
        %add3A_193 = arith.addf %add3A_177, %select_n3A_192 : vector<16xf32>
        %mul3A_194 = arith.constant 16 : i32
        %mul3A_195 = arith.muli %scan3A_78, %mul3A_194 : i32
        %get3A_196 = arith.constant 7 : i32
        %get3A_197 = arith.index_cast %get3A_196 : i32 to index
        %get3A_198 = arith.index_cast %mul3A_195 : i32 to index
        %get3A_199 = tpu.vector_load %arg7[%get3A_197, %get3A_198] {strides = array<i32>} : memref<32x1024xf32, #tpu.memory_space<vmem>>, vector<1x16xf32>,
        %get3A_200 = vector.shape_cast %get3A_199 : vector<1x16xf32> to vector<16xf32>
        %add3A_201 = arith.addf %add3A_185, %get3A_200 : vector<16xf32>
        %add3A_202 = arith.constant 7 : i32
        %add3A_203 = arith.addi %multiple_of3A_60, %add3A_202 : i32
        %eq3A_204 = vector.broadcast %add3A_203 : i32 to vector<16xi32>
        %eq3A_205 = arith.cmpi eq, %get3A_84, %eq3A_204 : vector<16xi32>
        %jit3A_206 = arith.constant 0.000000e+00 : f32
        %broadcast_in_dim3A_207 = vector.broadcast %jit3A_206 : f32 to vector<16xf32>
        %select_n3A_208 = arith.select %eq3A_205, %get3A_200, %broadcast_in_dim3A_207 : vector<16xi1>, vector<16xf32>
        %add3A_209 = arith.addf %add3A_193, %select_n3A_208 : vector<16xf32>
        %mul3A_210 = arith.constant 16 : i32
        %mul3A_211 = arith.muli %scan3A_78, %mul3A_210 : i32
        %get3A_212 = arith.constant 8 : i32
        %get3A_213 = arith.index_cast %get3A_212 : i32 to index
        %get3A_214 = arith.index_cast %mul3A_211 : i32 to index
        %get3A_215 = tpu.vector_load %arg7[%get3A_213, %get3A_214] {strides = array<i32>} : memref<32x1024xf32, #tpu.memory_space<vmem>>, vector<1x16xf32>,
        %get3A_216 = vector.shape_cast %get3A_215 : vector<1x16xf32> to vector<16xf32>
        %add3A_217 = arith.addf %add3A_201, %get3A_216 : vector<16xf32>
        %add3A_218 = arith.constant 8 : i32
        %add3A_219 = arith.addi %multiple_of3A_60, %add3A_218 : i32
        %eq3A_220 = vector.broadcast %add3A_219 : i32 to vector<16xi32>
        %eq3A_221 = arith.cmpi eq, %get3A_84, %eq3A_220 : vector<16xi32>
        %jit3A_222 = arith.constant 0.000000e+00 : f32
        %broadcast_in_dim3A_223 = vector.broadcast %jit3A_222 : f32 to vector<16xf32>
        %select_n3A_224 = arith.select %eq3A_221, %get3A_216, %broadcast_in_dim3A_223 : vector<16xi1>, vector<16xf32>
        %add3A_225 = arith.addf %add3A_209, %select_n3A_224 : vector<16xf32>
        %mul3A_226 = arith.constant 16 : i32
        %mul3A_227 = arith.muli %scan3A_78, %mul3A_226 : i32
        %get3A_228 = arith.constant 9 : i32
        %get3A_229 = arith.index_cast %get3A_228 : i32 to index
        %get3A_230 = arith.index_cast %mul3A_227 : i32 to index
        %get3A_231 = tpu.vector_load %arg7[%get3A_229, %get3A_230] {strides = array<i32>} : memref<32x1024xf32, #tpu.memory_space<vmem>>, vector<1x16xf32>,
        %get3A_232 = vector.shape_cast %get3A_231 : vector<1x16xf32> to vector<16xf32>
        %add3A_233 = arith.addf %add3A_217, %get3A_232 : vector<16xf32>
        %add3A_234 = arith.constant 9 : i32
        %add3A_235 = arith.addi %multiple_of3A_60, %add3A_234 : i32
        %eq3A_236 = vector.broadcast %add3A_235 : i32 to vector<16xi32>
        %eq3A_237 = arith.cmpi eq, %get3A_84, %eq3A_236 : vector<16xi32>
        %jit3A_238 = arith.constant 0.000000e+00 : f32
        %broadcast_in_dim3A_239 = vector.broadcast %jit3A_238 : f32 to vector<16xf32>
        %select_n3A_240 = arith.select %eq3A_237, %get3A_232, %broadcast_in_dim3A_239 : vector<16xi1>, vector<16xf32>
        %add3A_241 = arith.addf %add3A_225, %select_n3A_240 : vector<16xf32>
        %mul3A_242 = arith.constant 16 : i32
        %mul3A_243 = arith.muli %scan3A_78, %mul3A_242 : i32
        %get3A_244 = arith.constant 10 : i32
        %get3A_245 = arith.index_cast %get3A_244 : i32 to index
        %get3A_246 = arith.index_cast %mul3A_243 : i32 to index
        %get3A_247 = tpu.vector_load %arg7[%get3A_245, %get3A_246] {strides = array<i32>} : memref<32x1024xf32, #tpu.memory_space<vmem>>, vector<1x16xf32>,
        %get3A_248 = vector.shape_cast %get3A_247 : vector<1x16xf32> to vector<16xf32>
        %add3A_249 = arith.addf %add3A_233, %get3A_248 : vector<16xf32>
        %add3A_250 = arith.constant 10 : i32
        %add3A_251 = arith.addi %multiple_of3A_60, %add3A_250 : i32
        %eq3A_252 = vector.broadcast %add3A_251 : i32 to vector<16xi32>
        %eq3A_253 = arith.cmpi eq, %get3A_84, %eq3A_252 : vector<16xi32>
        %jit3A_254 = arith.constant 0.000000e+00 : f32
        %broadcast_in_dim3A_255 = vector.broadcast %jit3A_254 : f32 to vector<16xf32>
        %select_n3A_256 = arith.select %eq3A_253, %get3A_248, %broadcast_in_dim3A_255 : vector<16xi1>, vector<16xf32>
        %add3A_257 = arith.addf %add3A_241, %select_n3A_256 : vector<16xf32>
        %mul3A_258 = arith.constant 16 : i32
        %mul3A_259 = arith.muli %scan3A_78, %mul3A_258 : i32
        %get3A_260 = arith.constant 11 : i32
        %get3A_261 = arith.index_cast %get3A_260 : i32 to index
        %get3A_262 = arith.index_cast %mul3A_259 : i32 to index
        %get3A_263 = tpu.vector_load %arg7[%get3A_261, %get3A_262] {strides = array<i32>} : memref<32x1024xf32, #tpu.memory_space<vmem>>, vector<1x16xf32>,
        %get3A_264 = vector.shape_cast %get3A_263 : vector<1x16xf32> to vector<16xf32>
        %add3A_265 = arith.addf %add3A_249, %get3A_264 : vector<16xf32>
        %add3A_266 = arith.constant 11 : i32
        %add3A_267 = arith.addi %multiple_of3A_60, %add3A_266 : i32
        %eq3A_268 = vector.broadcast %add3A_267 : i32 to vector<16xi32>
        %eq3A_269 = arith.cmpi eq, %get3A_84, %eq3A_268 : vector<16xi32>
        %jit3A_270 = arith.constant 0.000000e+00 : f32
        %broadcast_in_dim3A_271 = vector.broadcast %jit3A_270 : f32 to vector<16xf32>
        %select_n3A_272 = arith.select %eq3A_269, %get3A_264, %broadcast_in_dim3A_271 : vector<16xi1>, vector<16xf32>
        %add3A_273 = arith.addf %add3A_257, %select_n3A_272 : vector<16xf32>
        %mul3A_274 = arith.constant 16 : i32
        %mul3A_275 = arith.muli %scan3A_78, %mul3A_274 : i32
        %get3A_276 = arith.constant 12 : i32
        %get3A_277 = arith.index_cast %get3A_276 : i32 to index
        %get3A_278 = arith.index_cast %mul3A_275 : i32 to index
        %get3A_279 = tpu.vector_load %arg7[%get3A_277, %get3A_278] {strides = array<i32>} : memref<32x1024xf32, #tpu.memory_space<vmem>>, vector<1x16xf32>,
        %get3A_280 = vector.shape_cast %get3A_279 : vector<1x16xf32> to vector<16xf32>
        %add3A_281 = arith.addf %add3A_265, %get3A_280 : vector<16xf32>
        %add3A_282 = arith.constant 12 : i32
        %add3A_283 = arith.addi %multiple_of3A_60, %add3A_282 : i32
        %eq3A_284 = vector.broadcast %add3A_283 : i32 to vector<16xi32>
        %eq3A_285 = arith.cmpi eq, %get3A_84, %eq3A_284 : vector<16xi32>
        %jit3A_286 = arith.constant 0.000000e+00 : f32
        %broadcast_in_dim3A_287 = vector.broadcast %jit3A_286 : f32 to vector<16xf32>
        %select_n3A_288 = arith.select %eq3A_285, %get3A_280, %broadcast_in_dim3A_287 : vector<16xi1>, vector<16xf32>
        %add3A_289 = arith.addf %add3A_273, %select_n3A_288 : vector<16xf32>
        %mul3A_290 = arith.constant 16 : i32
        %mul3A_291 = arith.muli %scan3A_78, %mul3A_290 : i32
        %get3A_292 = arith.constant 13 : i32
        %get3A_293 = arith.index_cast %get3A_292 : i32 to index
        %get3A_294 = arith.index_cast %mul3A_291 : i32 to index
        %get3A_295 = tpu.vector_load %arg7[%get3A_293, %get3A_294] {strides = array<i32>} : memref<32x1024xf32, #tpu.memory_space<vmem>>, vector<1x16xf32>,
        %get3A_296 = vector.shape_cast %get3A_295 : vector<1x16xf32> to vector<16xf32>
        %add3A_297 = arith.addf %add3A_281, %get3A_296 : vector<16xf32>
        %add3A_298 = arith.constant 13 : i32
        %add3A_299 = arith.addi %multiple_of3A_60, %add3A_298 : i32
        %eq3A_300 = vector.broadcast %add3A_299 : i32 to vector<16xi32>
        %eq3A_301 = arith.cmpi eq, %get3A_84, %eq3A_300 : vector<16xi32>
        %jit3A_302 = arith.constant 0.000000e+00 : f32
        %broadcast_in_dim3A_303 = vector.broadcast %jit3A_302 : f32 to vector<16xf32>
        %select_n3A_304 = arith.select %eq3A_301, %get3A_296, %broadcast_in_dim3A_303 : vector<16xi1>, vector<16xf32>
        %add3A_305 = arith.addf %add3A_289, %select_n3A_304 : vector<16xf32>
        %mul3A_306 = arith.constant 16 : i32
        %mul3A_307 = arith.muli %scan3A_78, %mul3A_306 : i32
        %get3A_308 = arith.constant 14 : i32
        %get3A_309 = arith.index_cast %get3A_308 : i32 to index
        %get3A_310 = arith.index_cast %mul3A_307 : i32 to index
        %get3A_311 = tpu.vector_load %arg7[%get3A_309, %get3A_310] {strides = array<i32>} : memref<32x1024xf32, #tpu.memory_space<vmem>>, vector<1x16xf32>,
        %get3A_312 = vector.shape_cast %get3A_311 : vector<1x16xf32> to vector<16xf32>
        %add3A_313 = arith.addf %add3A_297, %get3A_312 : vector<16xf32>
        %add3A_314 = arith.constant 14 : i32
        %add3A_315 = arith.addi %multiple_of3A_60, %add3A_314 : i32
        %eq3A_316 = vector.broadcast %add3A_315 : i32 to vector<16xi32>
        %eq3A_317 = arith.cmpi eq, %get3A_84, %eq3A_316 : vector<16xi32>
        %jit3A_318 = arith.constant 0.000000e+00 : f32
        %broadcast_in_dim3A_319 = vector.broadcast %jit3A_318 : f32 to vector<16xf32>
        %select_n3A_320 = arith.select %eq3A_317, %get3A_312, %broadcast_in_dim3A_319 : vector<16xi1>, vector<16xf32>
        %add3A_321 = arith.addf %add3A_305, %select_n3A_320 : vector<16xf32>
        %mul3A_322 = arith.constant 16 : i32
        %mul3A_323 = arith.muli %scan3A_78, %mul3A_322 : i32
        %get3A_324 = arith.constant 15 : i32
        %get3A_325 = arith.index_cast %get3A_324 : i32 to index
        %get3A_326 = arith.index_cast %mul3A_323 : i32 to index
        %get3A_327 = tpu.vector_load %arg7[%get3A_325, %get3A_326] {strides = array<i32>} : memref<32x1024xf32, #tpu.memory_space<vmem>>, vector<1x16xf32>,
        %get3A_328 = vector.shape_cast %get3A_327 : vector<1x16xf32> to vector<16xf32>
        %add3A_329 = arith.addf %add3A_313, %get3A_328 : vector<16xf32>
        %add3A_330 = arith.constant 15 : i32
        %add3A_331 = arith.addi %multiple_of3A_60, %add3A_330 : i32
        %eq3A_332 = vector.broadcast %add3A_331 : i32 to vector<16xi32>
        %eq3A_333 = arith.cmpi eq, %get3A_84, %eq3A_332 : vector<16xi32>
        %jit3A_334 = arith.constant 0.000000e+00 : f32
        %broadcast_in_dim3A_335 = vector.broadcast %jit3A_334 : f32 to vector<16xf32>
        %select_n3A_336 = arith.select %eq3A_333, %get3A_328, %broadcast_in_dim3A_335 : vector<16xi1>, vector<16xf32>
        %add3A_337 = arith.addf %add3A_321, %select_n3A_336 : vector<16xf32>
        %mul3A_338 = arith.constant 16 : i32
        %mul3A_339 = arith.muli %scan3A_78, %mul3A_338 : i32
        %get3A_340 = arith.constant 16 : i32
        %get3A_341 = arith.index_cast %get3A_340 : i32 to index
        %get3A_342 = arith.index_cast %mul3A_339 : i32 to index
        %get3A_343 = tpu.vector_load %arg7[%get3A_341, %get3A_342] {strides = array<i32>} : memref<32x1024xf32, #tpu.memory_space<vmem>>, vector<1x16xf32>,
        %get3A_344 = vector.shape_cast %get3A_343 : vector<1x16xf32> to vector<16xf32>
        %add3A_345 = arith.addf %add3A_329, %get3A_344 : vector<16xf32>
        %add3A_346 = arith.constant 16 : i32
        %add3A_347 = arith.addi %multiple_of3A_60, %add3A_346 : i32
        %eq3A_348 = vector.broadcast %add3A_347 : i32 to vector<16xi32>
        %eq3A_349 = arith.cmpi eq, %get3A_84, %eq3A_348 : vector<16xi32>
        %jit3A_350 = arith.constant 0.000000e+00 : f32
        %broadcast_in_dim3A_351 = vector.broadcast %jit3A_350 : f32 to vector<16xf32>
        %select_n3A_352 = arith.select %eq3A_349, %get3A_344, %broadcast_in_dim3A_351 : vector<16xi1>, vector<16xf32>
        %add3A_353 = arith.addf %add3A_337, %select_n3A_352 : vector<16xf32>
        %mul3A_354 = arith.constant 16 : i32
        %mul3A_355 = arith.muli %scan3A_78, %mul3A_354 : i32
        %get3A_356 = arith.constant 17 : i32
        %get3A_357 = arith.index_cast %get3A_356 : i32 to index
        %get3A_358 = arith.index_cast %mul3A_355 : i32 to index
        %get3A_359 = tpu.vector_load %arg7[%get3A_357, %get3A_358] {strides = array<i32>} : memref<32x1024xf32, #tpu.memory_space<vmem>>, vector<1x16xf32>,
        %get3A_360 = vector.shape_cast %get3A_359 : vector<1x16xf32> to vector<16xf32>
        %add3A_361 = arith.addf %add3A_345, %get3A_360 : vector<16xf32>
        %add3A_362 = arith.constant 17 : i32
        %add3A_363 = arith.addi %multiple_of3A_60, %add3A_362 : i32
        %eq3A_364 = vector.broadcast %add3A_363 : i32 to vector<16xi32>
        %eq3A_365 = arith.cmpi eq, %get3A_84, %eq3A_364 : vector<16xi32>
        %jit3A_366 = arith.constant 0.000000e+00 : f32
        %broadcast_in_dim3A_367 = vector.broadcast %jit3A_366 : f32 to vector<16xf32>
        %select_n3A_368 = arith.select %eq3A_365, %get3A_360, %broadcast_in_dim3A_367 : vector<16xi1>, vector<16xf32>
        %add3A_369 = arith.addf %add3A_353, %select_n3A_368 : vector<16xf32>
        %mul3A_370 = arith.constant 16 : i32
        %mul3A_371 = arith.muli %scan3A_78, %mul3A_370 : i32
        %get3A_372 = arith.constant 18 : i32
        %get3A_373 = arith.index_cast %get3A_372 : i32 to index
        %get3A_374 = arith.index_cast %mul3A_371 : i32 to index
        %get3A_375 = tpu.vector_load %arg7[%get3A_373, %get3A_374] {strides = array<i32>} : memref<32x1024xf32, #tpu.memory_space<vmem>>, vector<1x16xf32>,
        %get3A_376 = vector.shape_cast %get3A_375 : vector<1x16xf32> to vector<16xf32>
        %add3A_377 = arith.addf %add3A_361, %get3A_376 : vector<16xf32>
        %add3A_378 = arith.constant 18 : i32
        %add3A_379 = arith.addi %multiple_of3A_60, %add3A_378 : i32
        %eq3A_380 = vector.broadcast %add3A_379 : i32 to vector<16xi32>
        %eq3A_381 = arith.cmpi eq, %get3A_84, %eq3A_380 : vector<16xi32>
        %jit3A_382 = arith.constant 0.000000e+00 : f32
        %broadcast_in_dim3A_383 = vector.broadcast %jit3A_382 : f32 to vector<16xf32>
        %select_n3A_384 = arith.select %eq3A_381, %get3A_376, %broadcast_in_dim3A_383 : vector<16xi1>, vector<16xf32>
        %add3A_385 = arith.addf %add3A_369, %select_n3A_384 : vector<16xf32>
        %mul3A_386 = arith.constant 16 : i32
        %mul3A_387 = arith.muli %scan3A_78, %mul3A_386 : i32
        %get3A_388 = arith.constant 19 : i32
        %get3A_389 = arith.index_cast %get3A_388 : i32 to index
        %get3A_390 = arith.index_cast %mul3A_387 : i32 to index
        %get3A_391 = tpu.vector_load %arg7[%get3A_389, %get3A_390] {strides = array<i32>} : memref<32x1024xf32, #tpu.memory_space<vmem>>, vector<1x16xf32>,
        %get3A_392 = vector.shape_cast %get3A_391 : vector<1x16xf32> to vector<16xf32>
        %add3A_393 = arith.addf %add3A_377, %get3A_392 : vector<16xf32>
        %add3A_394 = arith.constant 19 : i32
        %add3A_395 = arith.addi %multiple_of3A_60, %add3A_394 : i32
        %eq3A_396 = vector.broadcast %add3A_395 : i32 to vector<16xi32>
        %eq3A_397 = arith.cmpi eq, %get3A_84, %eq3A_396 : vector<16xi32>
        %jit3A_398 = arith.constant 0.000000e+00 : f32
        %broadcast_in_dim3A_399 = vector.broadcast %jit3A_398 : f32 to vector<16xf32>
        %select_n3A_400 = arith.select %eq3A_397, %get3A_392, %broadcast_in_dim3A_399 : vector<16xi1>, vector<16xf32>
        %add3A_401 = arith.addf %add3A_385, %select_n3A_400 : vector<16xf32>
        %mul3A_402 = arith.constant 16 : i32
        %mul3A_403 = arith.muli %scan3A_78, %mul3A_402 : i32
        %get3A_404 = arith.constant 20 : i32
        %get3A_405 = arith.index_cast %get3A_404 : i32 to index
        %get3A_406 = arith.index_cast %mul3A_403 : i32 to index
        %get3A_407 = tpu.vector_load %arg7[%get3A_405, %get3A_406] {strides = array<i32>} : memref<32x1024xf32, #tpu.memory_space<vmem>>, vector<1x16xf32>,
        %get3A_408 = vector.shape_cast %get3A_407 : vector<1x16xf32> to vector<16xf32>
        %add3A_409 = arith.addf %add3A_393, %get3A_408 : vector<16xf32>
        %add3A_410 = arith.constant 20 : i32
        %add3A_411 = arith.addi %multiple_of3A_60, %add3A_410 : i32
        %eq3A_412 = vector.broadcast %add3A_411 : i32 to vector<16xi32>
        %eq3A_413 = arith.cmpi eq, %get3A_84, %eq3A_412 : vector<16xi32>
        %jit3A_414 = arith.constant 0.000000e+00 : f32
        %broadcast_in_dim3A_415 = vector.broadcast %jit3A_414 : f32 to vector<16xf32>
        %select_n3A_416 = arith.select %eq3A_413, %get3A_408, %broadcast_in_dim3A_415 : vector<16xi1>, vector<16xf32>
        %add3A_417 = arith.addf %add3A_401, %select_n3A_416 : vector<16xf32>
        %mul3A_418 = arith.constant 16 : i32
        %mul3A_419 = arith.muli %scan3A_78, %mul3A_418 : i32
        %get3A_420 = arith.constant 21 : i32
        %get3A_421 = arith.index_cast %get3A_420 : i32 to index
        %get3A_422 = arith.index_cast %mul3A_419 : i32 to index
        %get3A_423 = tpu.vector_load %arg7[%get3A_421, %get3A_422] {strides = array<i32>} : memref<32x1024xf32, #tpu.memory_space<vmem>>, vector<1x16xf32>,
        %get3A_424 = vector.shape_cast %get3A_423 : vector<1x16xf32> to vector<16xf32>
        %add3A_425 = arith.addf %add3A_409, %get3A_424 : vector<16xf32>
        %add3A_426 = arith.constant 21 : i32
        %add3A_427 = arith.addi %multiple_of3A_60, %add3A_426 : i32
        %eq3A_428 = vector.broadcast %add3A_427 : i32 to vector<16xi32>
        %eq3A_429 = arith.cmpi eq, %get3A_84, %eq3A_428 : vector<16xi32>
        %jit3A_430 = arith.constant 0.000000e+00 : f32
        %broadcast_in_dim3A_431 = vector.broadcast %jit3A_430 : f32 to vector<16xf32>
        %select_n3A_432 = arith.select %eq3A_429, %get3A_424, %broadcast_in_dim3A_431 : vector<16xi1>, vector<16xf32>
        %add3A_433 = arith.addf %add3A_417, %select_n3A_432 : vector<16xf32>
        %mul3A_434 = arith.constant 16 : i32
        %mul3A_435 = arith.muli %scan3A_78, %mul3A_434 : i32
        %get3A_436 = arith.constant 22 : i32
        %get3A_437 = arith.index_cast %get3A_436 : i32 to index
        %get3A_438 = arith.index_cast %mul3A_435 : i32 to index
        %get3A_439 = tpu.vector_load %arg7[%get3A_437, %get3A_438] {strides = array<i32>} : memref<32x1024xf32, #tpu.memory_space<vmem>>, vector<1x16xf32>,
        %get3A_440 = vector.shape_cast %get3A_439 : vector<1x16xf32> to vector<16xf32>
        %add3A_441 = arith.addf %add3A_425, %get3A_440 : vector<16xf32>
        %add3A_442 = arith.constant 22 : i32
        %add3A_443 = arith.addi %multiple_of3A_60, %add3A_442 : i32
        %eq3A_444 = vector.broadcast %add3A_443 : i32 to vector<16xi32>
        %eq3A_445 = arith.cmpi eq, %get3A_84, %eq3A_444 : vector<16xi32>
        %jit3A_446 = arith.constant 0.000000e+00 : f32
        %broadcast_in_dim3A_447 = vector.broadcast %jit3A_446 : f32 to vector<16xf32>
        %select_n3A_448 = arith.select %eq3A_445, %get3A_440, %broadcast_in_dim3A_447 : vector<16xi1>, vector<16xf32>
        %add3A_449 = arith.addf %add3A_433, %select_n3A_448 : vector<16xf32>
        %mul3A_450 = arith.constant 16 : i32
        %mul3A_451 = arith.muli %scan3A_78, %mul3A_450 : i32
        %get3A_452 = arith.constant 23 : i32
        %get3A_453 = arith.index_cast %get3A_452 : i32 to index
        %get3A_454 = arith.index_cast %mul3A_451 : i32 to index
        %get3A_455 = tpu.vector_load %arg7[%get3A_453, %get3A_454] {strides = array<i32>} : memref<32x1024xf32, #tpu.memory_space<vmem>>, vector<1x16xf32>,
        %get3A_456 = vector.shape_cast %get3A_455 : vector<1x16xf32> to vector<16xf32>
        %add3A_457 = arith.addf %add3A_441, %get3A_456 : vector<16xf32>
        %add3A_458 = arith.constant 23 : i32
        %add3A_459 = arith.addi %multiple_of3A_60, %add3A_458 : i32
        %eq3A_460 = vector.broadcast %add3A_459 : i32 to vector<16xi32>
        %eq3A_461 = arith.cmpi eq, %get3A_84, %eq3A_460 : vector<16xi32>
        %jit3A_462 = arith.constant 0.000000e+00 : f32
        %broadcast_in_dim3A_463 = vector.broadcast %jit3A_462 : f32 to vector<16xf32>
        %select_n3A_464 = arith.select %eq3A_461, %get3A_456, %broadcast_in_dim3A_463 : vector<16xi1>, vector<16xf32>
        %add3A_465 = arith.addf %add3A_449, %select_n3A_464 : vector<16xf32>
        %mul3A_466 = arith.constant 16 : i32
        %mul3A_467 = arith.muli %scan3A_78, %mul3A_466 : i32
        %get3A_468 = arith.constant 24 : i32
        %get3A_469 = arith.index_cast %get3A_468 : i32 to index
        %get3A_470 = arith.index_cast %mul3A_467 : i32 to index
        %get3A_471 = tpu.vector_load %arg7[%get3A_469, %get3A_470] {strides = array<i32>} : memref<32x1024xf32, #tpu.memory_space<vmem>>, vector<1x16xf32>,
        %get3A_472 = vector.shape_cast %get3A_471 : vector<1x16xf32> to vector<16xf32>
        %add3A_473 = arith.addf %add3A_457, %get3A_472 : vector<16xf32>
        %add3A_474 = arith.constant 24 : i32
        %add3A_475 = arith.addi %multiple_of3A_60, %add3A_474 : i32
        %eq3A_476 = vector.broadcast %add3A_475 : i32 to vector<16xi32>
        %eq3A_477 = arith.cmpi eq, %get3A_84, %eq3A_476 : vector<16xi32>
        %jit3A_478 = arith.constant 0.000000e+00 : f32
        %broadcast_in_dim3A_479 = vector.broadcast %jit3A_478 : f32 to vector<16xf32>
        %select_n3A_480 = arith.select %eq3A_477, %get3A_472, %broadcast_in_dim3A_479 : vector<16xi1>, vector<16xf32>
        %add3A_481 = arith.addf %add3A_465, %select_n3A_480 : vector<16xf32>
        %mul3A_482 = arith.constant 16 : i32
        %mul3A_483 = arith.muli %scan3A_78, %mul3A_482 : i32
        %get3A_484 = arith.constant 25 : i32
        %get3A_485 = arith.index_cast %get3A_484 : i32 to index
        %get3A_486 = arith.index_cast %mul3A_483 : i32 to index
        %get3A_487 = tpu.vector_load %arg7[%get3A_485, %get3A_486] {strides = array<i32>} : memref<32x1024xf32, #tpu.memory_space<vmem>>, vector<1x16xf32>,
        %get3A_488 = vector.shape_cast %get3A_487 : vector<1x16xf32> to vector<16xf32>
        %add3A_489 = arith.addf %add3A_473, %get3A_488 : vector<16xf32>
        %add3A_490 = arith.constant 25 : i32
        %add3A_491 = arith.addi %multiple_of3A_60, %add3A_490 : i32
        %eq3A_492 = vector.broadcast %add3A_491 : i32 to vector<16xi32>
        %eq3A_493 = arith.cmpi eq, %get3A_84, %eq3A_492 : vector<16xi32>
        %jit3A_494 = arith.constant 0.000000e+00 : f32
        %broadcast_in_dim3A_495 = vector.broadcast %jit3A_494 : f32 to vector<16xf32>
        %select_n3A_496 = arith.select %eq3A_493, %get3A_488, %broadcast_in_dim3A_495 : vector<16xi1>, vector<16xf32>
        %add3A_497 = arith.addf %add3A_481, %select_n3A_496 : vector<16xf32>
        %mul3A_498 = arith.constant 16 : i32
        %mul3A_499 = arith.muli %scan3A_78, %mul3A_498 : i32
        %get3A_500 = arith.constant 26 : i32
        %get3A_501 = arith.index_cast %get3A_500 : i32 to index
        %get3A_502 = arith.index_cast %mul3A_499 : i32 to index
        %get3A_503 = tpu.vector_load %arg7[%get3A_501, %get3A_502] {strides = array<i32>} : memref<32x1024xf32, #tpu.memory_space<vmem>>, vector<1x16xf32>,
        %get3A_504 = vector.shape_cast %get3A_503 : vector<1x16xf32> to vector<16xf32>
        %add3A_505 = arith.addf %add3A_489, %get3A_504 : vector<16xf32>
        %add3A_506 = arith.constant 26 : i32
        %add3A_507 = arith.addi %multiple_of3A_60, %add3A_506 : i32
        %eq3A_508 = vector.broadcast %add3A_507 : i32 to vector<16xi32>
        %eq3A_509 = arith.cmpi eq, %get3A_84, %eq3A_508 : vector<16xi32>
        %jit3A_510 = arith.constant 0.000000e+00 : f32
        %broadcast_in_dim3A_511 = vector.broadcast %jit3A_510 : f32 to vector<16xf32>
        %select_n3A_512 = arith.select %eq3A_509, %get3A_504, %broadcast_in_dim3A_511 : vector<16xi1>, vector<16xf32>
        %add3A_513 = arith.addf %add3A_497, %select_n3A_512 : vector<16xf32>
        %mul3A_514 = arith.constant 16 : i32
        %mul3A_515 = arith.muli %scan3A_78, %mul3A_514 : i32
        %get3A_516 = arith.constant 27 : i32
        %get3A_517 = arith.index_cast %get3A_516 : i32 to index
        %get3A_518 = arith.index_cast %mul3A_515 : i32 to index
        %get3A_519 = tpu.vector_load %arg7[%get3A_517, %get3A_518] {strides = array<i32>} : memref<32x1024xf32, #tpu.memory_space<vmem>>, vector<1x16xf32>,
        %get3A_520 = vector.shape_cast %get3A_519 : vector<1x16xf32> to vector<16xf32>
        %add3A_521 = arith.addf %add3A_505, %get3A_520 : vector<16xf32>
        %add3A_522 = arith.constant 27 : i32
        %add3A_523 = arith.addi %multiple_of3A_60, %add3A_522 : i32
        %eq3A_524 = vector.broadcast %add3A_523 : i32 to vector<16xi32>
        %eq3A_525 = arith.cmpi eq, %get3A_84, %eq3A_524 : vector<16xi32>
        %jit3A_526 = arith.constant 0.000000e+00 : f32
        %broadcast_in_dim3A_527 = vector.broadcast %jit3A_526 : f32 to vector<16xf32>
        %select_n3A_528 = arith.select %eq3A_525, %get3A_520, %broadcast_in_dim3A_527 : vector<16xi1>, vector<16xf32>
        %add3A_529 = arith.addf %add3A_513, %select_n3A_528 : vector<16xf32>
        %mul3A_530 = arith.constant 16 : i32
        %mul3A_531 = arith.muli %scan3A_78, %mul3A_530 : i32
        %get3A_532 = arith.constant 28 : i32
        %get3A_533 = arith.index_cast %get3A_532 : i32 to index
        %get3A_534 = arith.index_cast %mul3A_531 : i32 to index
        %get3A_535 = tpu.vector_load %arg7[%get3A_533, %get3A_534] {strides = array<i32>} : memref<32x1024xf32, #tpu.memory_space<vmem>>, vector<1x16xf32>,
        %get3A_536 = vector.shape_cast %get3A_535 : vector<1x16xf32> to vector<16xf32>
        %add3A_537 = arith.addf %add3A_521, %get3A_536 : vector<16xf32>
        %add3A_538 = arith.constant 28 : i32
        %add3A_539 = arith.addi %multiple_of3A_60, %add3A_538 : i32
        %eq3A_540 = vector.broadcast %add3A_539 : i32 to vector<16xi32>
        %eq3A_541 = arith.cmpi eq, %get3A_84, %eq3A_540 : vector<16xi32>
        %jit3A_542 = arith.constant 0.000000e+00 : f32
        %broadcast_in_dim3A_543 = vector.broadcast %jit3A_542 : f32 to vector<16xf32>
        %select_n3A_544 = arith.select %eq3A_541, %get3A_536, %broadcast_in_dim3A_543 : vector<16xi1>, vector<16xf32>
        %add3A_545 = arith.addf %add3A_529, %select_n3A_544 : vector<16xf32>
        %mul3A_546 = arith.constant 16 : i32
        %mul3A_547 = arith.muli %scan3A_78, %mul3A_546 : i32
        %get3A_548 = arith.constant 29 : i32
        %get3A_549 = arith.index_cast %get3A_548 : i32 to index
        %get3A_550 = arith.index_cast %mul3A_547 : i32 to index
        %get3A_551 = tpu.vector_load %arg7[%get3A_549, %get3A_550] {strides = array<i32>} : memref<32x1024xf32, #tpu.memory_space<vmem>>, vector<1x16xf32>,
        %get3A_552 = vector.shape_cast %get3A_551 : vector<1x16xf32> to vector<16xf32>
        %add3A_553 = arith.addf %add3A_537, %get3A_552 : vector<16xf32>
        %add3A_554 = arith.constant 29 : i32
        %add3A_555 = arith.addi %multiple_of3A_60, %add3A_554 : i32
        %eq3A_556 = vector.broadcast %add3A_555 : i32 to vector<16xi32>
        %eq3A_557 = arith.cmpi eq, %get3A_84, %eq3A_556 : vector<16xi32>
        %jit3A_558 = arith.constant 0.000000e+00 : f32
        %broadcast_in_dim3A_559 = vector.broadcast %jit3A_558 : f32 to vector<16xf32>
        %select_n3A_560 = arith.select %eq3A_557, %get3A_552, %broadcast_in_dim3A_559 : vector<16xi1>, vector<16xf32>
        %add3A_561 = arith.addf %add3A_545, %select_n3A_560 : vector<16xf32>
        %mul3A_562 = arith.constant 16 : i32
        %mul3A_563 = arith.muli %scan3A_78, %mul3A_562 : i32
        %get3A_564 = arith.constant 30 : i32
        %get3A_565 = arith.index_cast %get3A_564 : i32 to index
        %get3A_566 = arith.index_cast %mul3A_563 : i32 to index
        %get3A_567 = tpu.vector_load %arg7[%get3A_565, %get3A_566] {strides = array<i32>} : memref<32x1024xf32, #tpu.memory_space<vmem>>, vector<1x16xf32>,
        %get3A_568 = vector.shape_cast %get3A_567 : vector<1x16xf32> to vector<16xf32>
        %add3A_569 = arith.addf %add3A_553, %get3A_568 : vector<16xf32>
        %add3A_570 = arith.constant 30 : i32
        %add3A_571 = arith.addi %multiple_of3A_60, %add3A_570 : i32
        %eq3A_572 = vector.broadcast %add3A_571 : i32 to vector<16xi32>
        %eq3A_573 = arith.cmpi eq, %get3A_84, %eq3A_572 : vector<16xi32>
        %jit3A_574 = arith.constant 0.000000e+00 : f32
        %broadcast_in_dim3A_575 = vector.broadcast %jit3A_574 : f32 to vector<16xf32>
        %select_n3A_576 = arith.select %eq3A_573, %get3A_568, %broadcast_in_dim3A_575 : vector<16xi1>, vector<16xf32>
        %add3A_577 = arith.addf %add3A_561, %select_n3A_576 : vector<16xf32>
        %mul3A_578 = arith.constant 16 : i32
        %mul3A_579 = arith.muli %scan3A_78, %mul3A_578 : i32
        %get3A_580 = arith.constant 31 : i32
        %get3A_581 = arith.index_cast %get3A_580 : i32 to index
        %get3A_582 = arith.index_cast %mul3A_579 : i32 to index
        %get3A_583 = tpu.vector_load %arg7[%get3A_581, %get3A_582] {strides = array<i32>} : memref<32x1024xf32, #tpu.memory_space<vmem>>, vector<1x16xf32>,
        %get3A_584 = vector.shape_cast %get3A_583 : vector<1x16xf32> to vector<16xf32>
        %add3A_585 = arith.addf %add3A_569, %get3A_584 : vector<16xf32>
        %add3A_586 = arith.constant 31 : i32
        %add3A_587 = arith.addi %multiple_of3A_60, %add3A_586 : i32
        %eq3A_588 = vector.broadcast %add3A_587 : i32 to vector<16xi32>
        %eq3A_589 = arith.cmpi eq, %get3A_84, %eq3A_588 : vector<16xi32>
        %jit3A_590 = arith.constant 0.000000e+00 : f32
        %broadcast_in_dim3A_591 = vector.broadcast %jit3A_590 : f32 to vector<16xf32>
        %select_n3A_592 = arith.select %eq3A_589, %get3A_584, %broadcast_in_dim3A_591 : vector<16xi1>, vector<16xf32>
        %add3A_593 = arith.addf %add3A_577, %select_n3A_592 : vector<16xf32>
        scf.yield %add3A_585, %add3A_593 : vector<16xf32>, vector<16xf32>
      }
      %scan3A_70 = arith.constant 64 : i32
      %add3A_71 = arith.constant 3 : i32
      %add3A_72 = arith.addi %mul3A_37, %add3A_71 : i32
      %lt3A_73 = arith.constant 46 : i32
      %lt3A_74 = arith.cmpi slt, %add3A_72, %lt3A_73 : i32
      %convert_element_type3A_75 = arith.extui %lt3A_74 : i1 to i32
      %cond3A_76 = arith.constant 0 : i32
      %cond3A_77 = arith.cmpi ne, %convert_element_type3A_75, %cond3A_76 : i32
      scf.if %cond3A_77 {
        %add3A_78 = arith.constant 3 : i32
        %add3A_79 = arith.addi %mul3A_37, %add3A_78 : i32
        %mul3A_80 = arith.constant 32 : i32
        %mul3A_81 = arith.muli %add3A_79, %mul3A_80 : i32
        %add3A_82 = arith.addi %mul3A_2, %mul3A_81 : i32
        %multiple_of3A_83 = tpu.assume_multiple %add3A_82, 8 : i32
        %dma_start3A_84 = arith.constant 0 : i32
        %dma_start3A_85 = tpu.memref_slice %arg2[%multiple_of3A_83, %dma_start3A_84] : memref<100000x1024xf32, #tpu.memory_space<hbm>> -> memref<32x1024xf32, #tpu.memory_space<hbm>>
        %dma_start3A_86 = arith.constant 0 : i32
        %dma_start3A_87 = tpu.memref_slice %arg2[%multiple_of3A_83, %dma_start3A_86] : memref<100000x1024xf32, #tpu.memory_space<hbm>> -> memref<32x1024xf32, #tpu.memory_space<hbm>>
        tpu.enqueue_dma source(%dma_start3A_87 : memref<32x1024xf32, #tpu.memory_space<hbm>>) target(%arg7 : memref<32x1024xf32, #tpu.memory_space<vmem>>) target_semaphore(%arg10 : memref<!tpu.dma_semaphore, #tpu.memory_space<semaphore_mem>>)
      } else {
      }
      scf.yield %scan3A_69#0, %scan3A_69#1 : vector<16xf32>, vector<16xf32>
    }
    %scan3A_20 = arith.constant 23 : i32
    %mul3A_21 = arith.constant 1.000010e-06 : f32
    %mul3A_22 = vector.broadcast %mul3A_21 : f32 to vector<16xf32>
    %mul3A_23 = arith.mulf %mul3A_22, %scan3A_19#0 : vector<16xf32>
    %mul3A_24 = arith.constant 8.999990e-01 : f32
    %mul3A_25 = vector.broadcast %mul3A_24 : f32 to vector<16xf32>
    %mul3A_26 = arith.mulf %mul3A_25, %scan3A_19#1 : vector<16xf32>
    %add3A_27 = arith.addf %mul3A_23, %mul3A_26 : vector<16xf32>
    %swap3A = arith.constant 0 : index
    %swap3A_28 = tpu.vector_load %arg8[%swap3A] {strides = array<i32>} : memref<16xf32, #tpu.memory_space<vmem>>, vector<16xf32>,
    %swap3A_29 = vector.shape_cast %swap3A_28 : vector<16xf32> to vector<16xf32>
    %swap3A_30 = vector.shape_cast %add3A_27 : vector<16xf32> to vector<16xf32>
    tpu.vector_store %arg8[%swap3A], %swap3A_30 {strides = array<i32>} : memref<16xf32, #tpu.memory_space<vmem>>, vector<16xf32>,
    %mul3A_31 = arith.constant 16 : i32
    %mul3A_32 = arith.muli %add3A, %mul3A_31 : i32
    "tpu.region"() ({
      %run_scoped3A = tpu.sem_alloc : memref<!tpu.dma_semaphore, #tpu.memory_space<semaphore_mem>>
      %dma_start3A_33 = tpu.memref_slice %arg4[%mul3A_32] : memref<512xf32, #tpu.memory_space<hbm>> -> memref<16xf32, #tpu.memory_space<hbm>>
      %dma_start3A_34 = tpu.memref_slice %arg4[%mul3A_32] : memref<512xf32, #tpu.memory_space<hbm>> -> memref<16xf32, #tpu.memory_space<hbm>>
      tpu.enqueue_dma source(%arg8 : memref<16xf32, #tpu.memory_space<vmem>>) target(%dma_start3A_34 : memref<16xf32, #tpu.memory_space<hbm>>) target_semaphore(%run_scoped3A : memref<!tpu.dma_semaphore, #tpu.memory_space<semaphore_mem>>)
      %dma_wait3A = tpu.memref_slice %arg4[%mul3A_32] : memref<512xf32, #tpu.memory_space<hbm>> -> memref<16xf32, #tpu.memory_space<hbm>>
      %dma_wait3A_35 = tpu.memref_slice %arg4[%mul3A_32] : memref<512xf32, #tpu.memory_space<hbm>> -> memref<16xf32, #tpu.memory_space<hbm>>
      tpu.wait_dma2 semaphore(%run_scoped3A : memref<!tpu.dma_semaphore, #tpu.memory_space<semaphore_mem>>) src(%arg8 : memref<16xf32, #tpu.memory_space<vmem>>) dst(%dma_wait3A_35 : memref<16xf32, #tpu.memory_space<hbm>>)
      tpu.yield
    }) : () -> ()
    return
  }
}

module attributes {stable_mosaic.version = 14 : i64} {
  func.func @_tc_kernel(%arg0: i32, %arg1: memref<2048x1024xf32, #tpu.memory_space<vmem>>, %arg2: memref<1x1024xi32, #tpu.memory_space<vmem>>, %arg3: memref<1x1xf32, #tpu.memory_space<vmem>>) attributes {dimension_semantics = [#tpu.dimension_semantics<arbitrary>], iteration_bounds = array<i64: 26>, scalar_prefetch = 0 : i64, scratch_operands = 0 : i64, tpu.core_type = #tpu.core_type<tc>, window_params = [{transform_indices = @transform_0, window_bounds = array<i64: 2048, 1024>}, {pipeline_mode = #tpu.pipeline_mode<synchronous>, transform_indices = @transform_1, window_bounds = array<i64: 1, 1024>}, {pipeline_mode = #tpu.pipeline_mode<synchronous>, transform_indices = @transform_2, window_bounds = array<i64: 1, 1>}]} {
    %get3A = arith.constant 0 : index
    %get3A_0 = arith.constant 0 : index
    %get3A_1 = vector.load %arg1[%get3A, %get3A_0] : memref<2048x1024xf32, #tpu.memory_space<vmem>>, vector<2048x1024xf32>
    %iota3A = tpu.iota {dimensions = array<i32: 0>} : vector<2048x1024xi32>
    %mul3A = arith.constant 2048 : i32
    %mul3A_2 = arith.muli %arg0, %mul3A : i32
    %add3A = arith.constant 47104 : i32
    %add3A_3 = arith.addi %add3A, %mul3A_2 : i32
    %add3A_4 = vector.broadcast %add3A_3 : i32 to vector<2048x1024xi32>
    %add3A_5 = arith.addi %iota3A, %add3A_4 : vector<2048x1024xi32>
    %lt3A = arith.constant 100000 : i32
    %lt3A_6 = vector.broadcast %lt3A : i32 to vector<2048x1024xi32>
    %lt3A_7 = arith.cmpi slt, %add3A_5, %lt3A_6 : vector<2048x1024xi32>
    %jit3A = arith.constant 0.000000e+00 : f32
    %broadcast_in_dim3A = vector.broadcast %jit3A : f32 to vector<2048x1024xf32>
    %select_n3A = arith.select %lt3A_7, %get3A_1, %broadcast_in_dim3A : vector<2048x1024xi1>, vector<2048x1024xf32>
    %reduce_sum3A = vector.shape_cast %select_n3A : vector<2048x1024xf32> to vector<1x2048x1024xf32>
    %reduce_sum3A_8 = arith.constant dense<0.000000e+00> : vector<1xf32>
    %reduce_sum3A_9 = vector.multi_reduction <add>, %reduce_sum3A, %reduce_sum3A_8 [1, 2] : vector<1x2048x1024xf32> to vector<1xf32>
    %reduce_sum3A_10 = vector.shape_cast %reduce_sum3A_9 : vector<1xf32> to vector<1x1x1xf32>
    %reduce_sum3A_11 = vector.extract %reduce_sum3A_10[0, 0, 0] : f32 from vector<1x1x1xf32>
    %get3A_12 = arith.constant 0 : index
    %get3A_13 = arith.constant 0 : index
    %get3A_14 = vector.load %arg2[%get3A_12, %get3A_13] : memref<1x1024xi32, #tpu.memory_space<vmem>>, vector<1x1024xi32>
    %eq3A = vector.broadcast %get3A_14 : vector<1x1024xi32> to vector<2048x1024xi32>
    %eq3A_15 = arith.cmpi eq, %add3A_5, %eq3A : vector<2048x1024xi32>
    %jit3A_16 = arith.constant 0.000000e+00 : f32
    %broadcast_in_dim3A_17 = vector.broadcast %jit3A_16 : f32 to vector<2048x1024xf32>
    %select_n3A_18 = arith.select %eq3A_15, %get3A_1, %broadcast_in_dim3A_17 : vector<2048x1024xi1>, vector<2048x1024xf32>
    %reduce_sum3A_19 = vector.shape_cast %select_n3A_18 : vector<2048x1024xf32> to vector<1x2048x1024xf32>
    %reduce_sum3A_20 = arith.constant dense<0.000000e+00> : vector<1xf32>
    %reduce_sum3A_21 = vector.multi_reduction <add>, %reduce_sum3A_19, %reduce_sum3A_20 [1, 2] : vector<1x2048x1024xf32> to vector<1xf32>
    %reduce_sum3A_22 = vector.shape_cast %reduce_sum3A_21 : vector<1xf32> to vector<1x1x1xf32>
    %reduce_sum3A_23 = vector.extract %reduce_sum3A_22[0, 0, 0] : f32 from vector<1x1x1xf32>
    %mul3A_24 = arith.constant 1.000010e-06 : f32
    %mul3A_25 = arith.mulf %mul3A_24, %reduce_sum3A_11 : f32
    %mul3A_26 = arith.constant 8.999990e-01 : f32
    %mul3A_27 = arith.mulf %mul3A_26, %reduce_sum3A_23 : f32
    %add3A_28 = arith.addf %mul3A_25, %mul3A_27 : f32
    %reshape3A = vector.broadcast %add3A_28 : f32 to vector<1x1xf32>
    %eq3A_29 = arith.constant 0 : i32
    %eq3A_30 = arith.cmpi eq, %arg0, %eq3A_29 : i32
    %convert_element_type3A = arith.extui %eq3A_30 : i1 to i32
    %cond3A = arith.constant 0 : i32
    %cond3A_31 = arith.cmpi ne, %convert_element_type3A, %cond3A : i32
    scf.if %cond3A_31 {
      %broadcast_in_dim3A_38 = arith.constant 0.000000e+00 : f32
      %broadcast_in_dim3A_39 = vector.broadcast %broadcast_in_dim3A_38 : f32 to vector<1x1xf32>
      %swap3A_40 = arith.constant 0 : index
      %swap3A_41 = arith.constant 0 : index
      %swap3A_42 = vector.load %arg3[%swap3A_40, %swap3A_41] : memref<1x1xf32, #tpu.memory_space<vmem>>, vector<1x1xf32>
      tpu.vector_store %arg3[%swap3A_40, %swap3A_41], %broadcast_in_dim3A_39 {strides = array<i32>} : memref<1x1xf32, #tpu.memory_space<vmem>>, vector<1x1xf32>,
    } else {
    }
    %get3A_32 = arith.constant 0 : index
    %get3A_33 = arith.constant 0 : index
    %get3A_34 = vector.load %arg3[%get3A_32, %get3A_33] : memref<1x1xf32, #tpu.memory_space<vmem>>, vector<1x1xf32>
    %add3A_35 = arith.addf %get3A_34, %reshape3A : vector<1x1xf32>
    %swap3A = arith.constant 0 : index
    %swap3A_36 = arith.constant 0 : index
    %swap3A_37 = vector.load %arg3[%swap3A, %swap3A_36] : memref<1x1xf32, #tpu.memory_space<vmem>>, vector<1x1xf32>
    tpu.vector_store %arg3[%swap3A, %swap3A_36], %add3A_35 {strides = array<i32>} : memref<1x1xf32, #tpu.memory_space<vmem>>, vector<1x1xf32>,
    return
  }
  func.func @transform_0(%arg0: i32) -> (i32, i32) {
    %add3A = arith.constant 23 : i32
    %add3A_0 = arith.addi %add3A, %arg0 : i32
    %c0_i32 = arith.constant 0 : i32
    %c0_i32_1 = arith.constant 0 : i32
    return %add3A_0, %c0_i32 : i32, i32
  }
  func.func @transform_1(%arg0: i32) -> (i32, i32) {
    %c0_i32 = arith.constant 0 : i32
    %c0_i32_0 = arith.constant 0 : i32
    %c0_i32_1 = arith.constant 0 : i32
    return %c0_i32, %c0_i32_0 : i32, i32
  }
  func.func @transform_2(%arg0: i32) -> (i32, i32) {
    %c0_i32 = arith.constant 0 : i32
    %c0_i32_0 = arith.constant 0 : i32
    %c0_i32_1 = arith.constant 0 : i32
    return %c0_i32, %c0_i32_0 : i32, i32
  }
}

</mosaic_0001>

<sc_bundles>
// kernel: kernel.4.cloned.1.call-start
scs
__scs_entry_jumppad:
0x0: {  	(pc) =	sbr.rel $0x88, $3  }
0x1: {  	(tag) =	ssettag $0x0;
	lr =	simm.s32 $0x1  }
0x2: {  	[smem:$0x3F9F] =	sst lr;
	_ =	strace $0xD0000000  }
0x3: {  	_ = 	snop  }
0x4: {  	_ = 	snop  }
0x5: {  	_ = 	snop  }
0x6: {  	_ = 	snop  }
0x7: {  	_ = 	snop  }
__scs_overlays_trampoline_lowered:
0x8: {  	[smem:$0x3FAE] =	sst s0  }
0x9: {  	[smem:$0x3FAF] =	sst s1  }
0xa: {  	[smem:$0x3FB0] =	sst s2  }
0xb: {  	[smem:$0x3FB1] =	sst s3  }
0xc: {  	[smem:$0x3FB2] =	sst s4  }
0xd: {  	[smem:$0x3FB3] =	sst s5  }
0xe: {  	[smem:$0x3FB4] =	sst s6  }
0xf: {  	[smem:$0x3FB5] =	sst s7  }
0x10: {  	[smem:$0x3FB6] =	sst s8  }
0x11: {  	[smem:$0x3FB7] =	sst s9;
	s0 =	simm.s32 @!p0 $0x0  }
0x12: {  	s1 =	sld [smem:$0x3F9D];
	s0 =	simm.s32 @p0 $0x1  }
0x13: {  	[smem:$0x3FB8] =	sst s0;
	s0 =	simm.s32 @!p1 $0x0  }
0x14: {  	s2 =	sld [smem:$0x3F9C];
	s0 =	simm.s32 @p1 $0x1  }
0x15: {  	[smem:$0x3FB9] =	sst s0;
	s0 =	simm.s32 @!p2 $0x0  }
0x16: {  	s3 =	sld [smem:$0x3FDB];
	s0 =	simm.s32 @p2 $0x1  }
0x17: {  	s4 =	simm.s32 $0x1BF5;
	[smem:$0x3FBB] =	sst s0  }
0x18: {  	s0 =	sld [smem:$0x3F9E];
	_ =	swait.ge [sflag:s4], $0x0  }
0x19: {  	s7 =	sld [smem:$0x3F9F]  }
0x1a: {  	s8 =	sadd.s32 $0xFFFFE003, lr  }
0x1b: {  	s9 =	sadd.s32 $0xFFFFFEF7, lr;
	s5 =	simm.s32 $0xFFFFFFFF;
	p2 =	slt.u32 s8, $0xFFFFF086  }
0x1c: {  	p1 =	slt.u32 s9, $0xF7A;
	s5 =	simm.s32 @!p2 $0x0  }
0x1d: {  	s5 =	simm.s32 @p1 $0x1;
	p0 =	seq.s32 s7, s2  }
0x1e: {  	s7 =	smul.u32 @!p0 $0xF7A, s2;
	p2 =	seq.s32 @!p0 s5, $0x0  }
0x1f: {  	s9 =	smul.u32 $0xF7A, s1;
	s8 =	simm.s32 @!p0 $0x1BF5;
	p2 =	por !p2, p0  }
0x20: {  	[sflag:s8] =	ssyncset.s32 @!p0 $0xFFFFF086;
	s6 =	sadd.s32 @!p0 s3, s7;
	s7 =	simm.s32 @!p0 $0x108  }
0x21: {  	s3 =	sadd.s32 s3, s9;
	s6 =	sadd.s32 @!p0 $0x88, s6;
	s7 =	simm.s32 @p2 $0x1082  }
0x22: {  	[simem:s7], [sflag:s8] =	dma.local @!p0 [hbm:s6], $0xF7A  }
0x23: {  	s9 =	sor.u32 $0xD0000000, s2;
	s6 =	simm.s32 $0x108;
	_ =	swait.ge @!p0 [sflag:s8], $0x0  }
0x24: {  	s3 =	sadd.s32 $0x88, s3;
	s6 =	simm.s32 @!p1 $0x1082;
	[sflag:s4] =	ssyncset.s32 $0xFFFFF086  }
0x25: {  	[simem:s6], [sflag:s4] =	dma.local [hbm:s3], $0xF7A  }
0x26: {  	[smem:$0x3F9F] =	sst s1;
	(tag) =	ssettag s2;
	_ =	strace s9  }
0x27: {  	s1 =	sld [smem:$0x3FAF]  }
0x28: {  	s2 =	sld [smem:$0x3FB0]  }
0x29: {  	s4 =	sld [smem:$0x3FB2]  }
0x2a: {  	p0 =	seq.s32 s5, $0x0;
	s5 =	sld [smem:$0x3FB3]  }
0x2b: {  	s6 =	sld [smem:$0x3FB4]  }
0x2c: {  	s7 =	sld [smem:$0x3FB5]  }
0x2d: {  	s3 =	simm.s32 $0x108;
	s8 =	sld [smem:$0x3FB6]  }
0x2e: {  	s3 =	simm.s32 @!p0 $0x1082;
	s9 =	sld [smem:$0x3FB7]  }
0x2f: {  	lr =	sadd.s32 s0, s3;
	s0 =	sld [smem:$0x3FAE]  }
0x30: {  	s3 =	sld [smem:$0x3FB1]  }
0x31: {  	[smem:$0x3FBA] =	sst s10  }
0x32: {  	s10 =	sld [smem:$0x3FB8];
	_ =	sdelay $0x3  }
0x33: {  	p0 =	seq.s32 s10, $0x1;
	s10 =	sld [smem:$0x3FBA];
	_ =	sdelay $0x3  }
0x34: {  	[smem:$0x3FBA] =	sst s10  }
0x35: {  	s10 =	sld [smem:$0x3FB9];
	_ =	sdelay $0x3  }
0x36: {  	p1 =	seq.s32 s10, $0x1;
	s10 =	sld [smem:$0x3FBA];
	_ =	sdelay $0x3  }
0x37: {  	[smem:$0x3FBA] =	sst s10  }
0x38: {  	s10 =	sld [smem:$0x3FBB]  }
0x39: {  	_ = 	snop;
	(pc) =	sbr.ind lr, $3  }
0x3a: {  	_ = 	snop  }
0x3b: {  	_ = 	snop  }
0x3c: {  	p2 =	seq.s32 s10, $0x1;
	s10 =	sld [smem:$0x3FBA]  }
0x3d: {  	_ =	shalt  }
0x3e: {  	_ =	shalt  }
0x3f: {  	_ =	shalt  }
0x40: {  	_ =	shalt  }
0x41: {  	_ =	shalt  }
0x42: {  	_ =	shalt  }
0x43: {  	_ =	shalt  }
0x44: {  	_ =	shalt  }
0x45: {  	_ =	shalt  }
0x46: {  	_ =	shalt  }
0x47: {  	_ =	shalt  }
0x48: {  	_ =	shalt  }
0x49: {  	_ =	shalt  }
0x4a: {  	_ =	shalt  }
0x4b: {  	_ =	shalt  }
0x4c: {  	_ =	shalt  }
0x4d: {  	_ =	shalt  }
0x4e: {  	_ =	shalt  }
0x4f: {  	_ =	shalt  }
0x50: {  	_ =	shalt  }
0x51: {  	_ =	shalt  }
0x52: {  	_ =	shalt  }
0x53: {  	_ =	shalt  }
0x54: {  	_ =	shalt  }
0x55: {  	_ =	shalt  }
0x56: {  	_ =	shalt  }
0x57: {  	_ =	shalt  }
0x58: {  	_ =	shalt  }
0x59: {  	_ =	shalt  }
0x5a: {  	_ =	shalt  }
0x5b: {  	_ =	shalt  }
0x5c: {  	_ =	shalt  }
0x5d: {  	_ =	shalt  }
0x5e: {  	_ =	shalt  }
0x5f: {  	_ =	shalt  }
0x60: {  	_ =	shalt  }
0x61: {  	_ =	shalt  }
0x62: {  	_ =	shalt  }
0x63: {  	_ =	shalt  }
0x64: {  	_ =	shalt  }
0x65: {  	_ =	shalt  }
0x66: {  	_ =	shalt  }
0x67: {  	_ =	shalt  }
0x68: {  	_ =	shalt  }
0x69: {  	_ =	shalt  }
0x6a: {  	_ =	shalt  }
0x6b: {  	_ =	shalt  }
0x6c: {  	_ =	shalt  }
0x6d: {  	_ =	shalt  }
0x6e: {  	_ =	shalt  }
0x6f: {  	_ =	shalt  }
0x70: {  	_ =	shalt  }
0x71: {  	_ =	shalt  }
0x72: {  	_ =	shalt  }
0x73: {  	_ =	shalt  }
0x74: {  	_ =	shalt  }
0x75: {  	_ =	shalt  }
0x76: {  	_ =	shalt  }
0x77: {  	_ =	shalt  }
0x78: {  	_ =	shalt  }
0x79: {  	_ =	shalt  }
0x7a: {  	_ =	shalt  }
0x7b: {  	_ =	shalt  }
0x7c: {  	_ =	shalt  }
0x7d: {  	_ =	shalt  }
0x7e: {  	_ =	shalt  }
0x7f: {  	_ =	shalt  }
0x80: {  	_ =	shalt  }
0x81: {  	_ =	shalt  }
0x82: {  	_ =	shalt  }
0x83: {  	_ =	shalt  }
0x84: {  	_ =	shalt  }
0x85: {  	_ =	shalt  }
0x86: {  	_ =	shalt  }
0x87: {  	_ =	shalt  }
.Lfunc_end0:
.L_simem_size_0:
called_computation_lowered:
.L_overlay_start_0:
0x88: {  	s2 =	sld [smem:$0x3FD9]  }
0x89: {  	s3 =	sld [smem:$0x3FFE];
	_ =	sdelay $0x1  }
0x8a: {  	s1 =	srdreg.scid  }
0x8b: {  	s0 =	sand.u32 $0x1, s1  }
0x8c: {  	s17 =	sshll.u32 s0, $0xA;
	s2 =	sadd.s32 s3, s2  }
0x8d: {  	s2 =	sadd.s32 s2, s17  }
0x8e: {  	[smem:$0x3FC6] =	sst s2  }
0x8f: {  	_ = 	snop  }
0x90: {  	s2 =	sld [smem:$0x3FC9]  }
0x91: {  	s18 =	sld [smem:$0x3FC8];
	(tm) =	ssettm $0x1  }
0x92: {  	s4 =	sld [smem:$0x3FFB];
	_ =	sdelay $0x3  }
0x93: {  	_ =	strace s4  }
0x94: {  	s4 =	sld [smem:$0x3FFC];
	_ =	sdelay $0x3  }
0x95: {  	_ =	strace s4  }
0x96: {  	s4 =	sld [smem:$0x3FFD];
	_ =	sdelay $0x3  }
0x97: {  	_ =	strace s4  }
0x98: {  	_ =	strace $0x8FFFFFFF  }
0x99: {  	s19 =	sld [smem:$0x3FDB];
	_ =	sdelay $0x1  }
0x9a: {  	s5 =	simm.s32 $_scs_section_size  }
0x9b: {  	s6 =	simm.s32 $_size__tile_overlayer_lowered;
	s7 =	simm.s32 $_tile_overlayer_lowered  }
0x9c: {  	s22 =	simm.s32 $0x1BFF;
	s21 =	sshll.u32 s7, $0x1;
	s4 =	sadd.s32 s5, s19  }
0x9d: {  	s8 =	simm.s32 $0x0;
	s20 =	sshll.u32 s6, $0x1;
	s6 =	sadd.s32 s21, s4  }
0x9e: {  	[timem:s8], [sflag:s22] =	dma.local [hbm:s6], s20  }
0x9f: {  	_ =	swait.ge [sflag:s22], s20  }
0xa0: {  	s5 =	ssub.s32 $0x0, s20;
	[sflag:s22] =	ssyncset.done $0x0  }
0xa1: {  	[sflag:s22] =	ssyncadd.s32 s5;
	_ =	sdelay $0x1  }
0xa2: {  	s23 =	simm.s32 $0x1B8B  }
0xa3: {  	_ =	swait.ge [sflag:s23], $0x1  }
0xa4: {  	[sflag:s23] =	ssyncset.done $0x0  }
0xa5: {  	s25 =	simm.s32 $0x1B8E;
	s24 =	sld [smem:$0x3FFE];
	[sflag:s23] =	ssyncadd.s32 $0xFFFFFFFF  }
0xa6: {  	s26 =	simm.s32 $execute0_lowered;
	[smem:$0x3FD2] =	sst s25  }
0xa7: {  	s6 =	sshll.u32 s26, $0x1;
	_ =	strace $0x80000046;
	[dreg:$0x1] =	wrdreg $0xFFFFFFFF  }
0xa8: {  	s28 =	simm.s32 $_size_execute0_lowered;
	s4 =	sadd.s32 s4, s6;
	[dreg:$0x0] =	wrdreg $0x0  }
0xa9: {  	s6 =	sshll.u32 s28, $0x1;
	[dreg:$0x2] =	wrdreg s4  }
0xaa: {  	[dreg:$0x3] =	wrdreg s6  }
0xab: {  	[dreg:$0x4] =	wrdreg $0xC0  }
0xac: {  	_ =	task [dreg:s8], $0x5FFFF  }
0xad: {  	[dreg:$0x1] =	wrdreg $0xFFFFFFFF  }
0xae: {  	[dreg:$0x0] =	wrdreg $0x60  }
0xaf: {  	[dreg:$0x2] =	wrdreg s2  }
0xb0: {  	[dreg:$0x3] =	wrdreg s18  }
0xb1: {  	[dreg:$0x4] =	wrdreg s24  }
0xb2: {  	[dreg:$0x5] =	wrdreg $0x9  }
0xb3: {  	_ =	task.clear_ibuf [dreg:s8], $0x6FFFF;
	_ =	strace $0x90000046  }
0xb4: {  	s29 =	simm.s32 $0x9;
	_ =	strace $0x80000048  }
0xb5: {  	_ =	swait.ge [sflag:s29], $0x1  }
0xb6: {  	[sflag:s29] =	ssyncadd.s32 $0xFFFFFFFF  }
0xb7: {  	_ =	strace $0x90000048  }
0xb8: {  	_ =	sfence  }
0xb9: {  	s30 =	sld [smem:$0x0];
	_ =	sdelay $0x2  }
0xba: {  	s31 =	sshll.u32 s1, $0xD;
	s1 =	sshrl.u32 s1, $0x2  }
0xbb: {  	s3 =	sand.u32 $0x4000, s31;
	s1 =	sadd.s32 s1, s30  }
0xbc: {  	s0 =	sor.u32 s3, s0;
	s1 =	sshll.u32 s1, $0x11  }
0xbd: {  	s0 =	sor.u32 s1, s0  }
0xbe: {  	s0 =	sadd.s32 $0x8F2B, s0  }
0xbf: {  	[sflag:s0] =	ssyncadd.remote.s32 $0x1  }
0xc0: {  	_ =	sfence.sel $0xFFFF  }
0xc1: {  	[dreg:$0x0] =	wrdreg $0xFFFFFFFF;
	(pc) =	sbr.abs _section_cstart, $3  }
0xc2: {  	[dreg:$0x1] =	wrdreg $0xFFFFFFFF  }
0xc3: {  	_ =	task.clear_ibuf [dreg:s8], $0x2FFFF;
	_ =	strace $0x9FFFFFFF  }
0xc4: {  	(tm) =	ssettm $0x7FFFFFFF  }
0xc5: {  	_ =	shalt  }
tec
execute0_lowered:
.L_overlay_start_1:
0x0: {  	(tag) =	ssettag $0x1  }
0x1: {  	s1 =	rddreg [dreg:$0x0]  }
0x2: {  	s2 =	rddreg [dreg:$0x1]  }
0x3: {  	s5 =	rddreg [dreg:$0x2]  }
0x4: {  	s0 =	rddreg [dreg:$0x3]  }
0x5: {  	s4 =	simm.s32 $0x0;
	s6 =	srdreg.scid;
	s3 =	stileid.u32  }
0x6: {  	s13 =	simm.s32 $0x400;
	s14 =	simm.s32 $0x8400;
	s15 =	simm.s32 $0x1  }
0x7: {  	s16 =	simm.s32 $0x2;
	s6 =	sand.u32 $0x1, s6;
	s7 =	sshll.u32 s3, $0x1  }
0x8: {  	s17 =	simm.s32 $0x10400;
	[smem:$0x7FF] =	sst s4;
	s7 =	sor.u32 s6, s7  }
0x9: {  	s18 =	simm.s32 $0x0;
	_ =	strace $0x80000047;
	s9 =	smul.u32 $0x2E000, s7  }
.Ltmp0:
0xa: {  	s6 =	ssub.s32 $0x2, s6;
	s8 =	sshll.u32 s7, $0x1;
	(pc) =	sbr.rel .LBB2_1-.Ltmp0, $4  }
0xb: {  	s31 =	sshrl.u32 s6, $0x1;
	s11 =	smul.u32 $0x170000, s7;
	s10 =	sadd.s32 s8, s5  }
0xc: {  	s12 =	ssub.s32 s6, s31;
	s5 =	smul.u32 $0x5C0, s7;
	s6 =	sadd.s32 s1, s9  }
0xd: {  	s8 =	sadd.s32 $0x10000, s11;
	s9 =	sadd.s32 $0x18000, s11;
	s10 =	sadd.s32 $0x200, s10  }
0xe: {  	s11 =	smax.u32 s12, $0x1;
	s12 =	simm.s32 $0x3;
	s7 =	sadd.s32 $0x1000, s6  }
.LBB2_8:
0xf: {  	v0 =	vmul.f32 $1.000010000e-06, v3;
	v1 =	vmul.f32 $8.999990220e-01, v1;
	_ =	sdelay $0x1  }
0x10: {  	s18 =	sadd.s32 $0x1, s18;
	v0 =	vadd.f32 v1, v0  }
0x11: {  	p0 =	sne.s32 s18, s11  }
.Ltmp1:
0x12: {  	[tilespmem:$0x10400] =	vst v0;
	(pc) =	sbr.rel @!p0 .LBB2_9-.Ltmp1, $4  }
0x13: {  	[hbm4b:s10+s4] =	stream.linear.scatter [tilespmem:s17], [sflag:$0x3], $0x10, $0x38;
	[tilespmem:$0x10480] =	vst v63  }
0x14: {  	_ =	swait.ge [sflag:s12], $0x10  }
0x15: {  	[sflag:s12] =	ssyncset.done $0x0  }
0x16: {  	[sflag:s12] =	ssyncadd.s32 $0xFFFFFFF0  }
.LBB2_1:
0x17: {  	[tilespmem:s4], [sflag:$0x3] =	stream.linear.gather [hbm4b:s2+s4], $0x400, $0x38;
	[tilespmem:$0x10480] =	vst v63  }
0x18: {  	_ =	swait.ge [sflag:s12], $0x400  }
0x19: {  	[sflag:s12] =	ssyncset.done $0x0  }
0x1a: {  	[sflag:s12] =	ssyncadd.s32 $0xFFFFFC00  }
0x1b: {  	[tilespmem:s13], [sflag:$0x1] =	stream.linear.gather [hbm4b:s6+s4], $0x8000, $0x38;
	[tilespmem:$0x10480] =	vst v63  }
0x1c: {  	s19 =	simm.s32 $0x0  }
0x1d: {  	v1 =	vimm.f32 $0.0e+00;
	v3 =	vimm.f32 $0.0e+00;
	[tilespmem:s14], [sflag:$0x2] =	stream.linear.gather [hbm4b:s7+s4], $0x8000, $0x38;
	[tilespmem:$0x10480] =	vst v63  }
.LBB2_2:
0x1e: {  	_ =	swait.ge [sflag:s15], $0x8000  }
0x1f: {  	s23 =	simm.s32 $0x0;
	[sflag:s15] =	ssyncset.done $0x0  }
0x20: {  	s20 =	sand.u32 $0x70, s23;
	s21 =	sand.u32 $0x1C00, s23;
	[sflag:s15] =	ssyncadd.s32 $0xFFFF8000  }
0x21: {  	s22 =	sor.u32 s20, s21;
	v5 =	vld [tilespmem:s23+$0x0]  }
0x22: {  	v4 =	vld [tilespmem:s22+$0x400]  }
0x23: {  	s21 =	sshll.u32 s19, $0x6  }
0x24: {  	s20 =	sadd.s32 s5, s21;
	v6 =	vld [tilespmem:s22+$0x480]  }
0x25: {  	v2 =	vmov s20  }
0x26: {  	v7 =	vld [tilespmem:s22+$0x500];
	s24 =	sor.u32 $0x1, s20;
	vm0 =	veq.s32 v5, v2  }
0x27: {  	v0 =	vmov s24;
	v8 =	vnsel vm0, $0x0, v4  }
0x28: {  	s25 =	sor.u32 $0x2, s20;
	v3 =	vadd.f32 v4, v3;
	vm0 =	veq.s32 v5, v0;
	v4 =	vadd.f32 v8, v1;
	v8 =	vld [tilespmem:s22+$0x580]  }
0x29: {  	v1 =	vmov s25;
	v9 =	vnsel vm0, $0x0, v6  }
0x2a: {  	s26 =	sor.u32 $0x3, s20;
	v6 =	vadd.f32 v6, v3;
	vm0 =	veq.s32 v5, v1;
	v4 =	vadd.f32 v9, v4;
	v9 =	vld [tilespmem:s22+$0x600]  }
0x2b: {  	v3 =	vmov s26;
	v10 =	vnsel vm0, $0x0, v7  }
0x2c: {  	s29 =	sor.u32 $0x4, s20;
	v6 =	vadd.f32 v7, v6;
	vm0 =	veq.s32 v5, v3;
	v7 =	vadd.f32 v10, v4;
	v10 =	vld [tilespmem:s22+$0x680]  }
0x2d: {  	v4 =	vmov s29;
	v11 =	vnsel vm0, $0x0, v8  }
0x2e: {  	s23 =	sor.u32 s23, s23;
	s30 =	sor.u32 $0x5, s20;
	v8 =	vadd.f32 v8, v6;
	vm0 =	veq.s32 v5, v4;
	v7 =	vadd.f32 v11, v7;
	v11 =	vld [tilespmem:s22+$0x700]  }
0x2f: {  	s23 =	sor.u32 $0x380, s23;
	v6 =	vmov s30;
	v12 =	vnsel vm0, $0x0, v9  }
0x30: {  	s31 =	sor.u32 $0x6, s20;
	v8 =	vadd.f32 v9, v8;
	vm0 =	veq.s32 v5, v6;
	v9 =	vadd.f32 v12, v7;
	v12 =	vld [tilespmem:s23+$0x400]  }
0x31: {  	v7 =	vmov s31;
	v13 =	vnsel vm0, $0x0, v10  }
0x32: {  	s24 =	sor.u32 $0x7, s20;
	v10 =	vadd.f32 v10, v8;
	vm0 =	veq.s32 v5, v7;
	v9 =	vadd.f32 v13, v9;
	v13 =	vld [tilespmem:s22+$0x2400]  }
0x33: {  	v8 =	vmov s24;
	v14 =	vnsel vm0, $0x0, v11  }
0x34: {  	s25 =	sor.u32 $0x8, s20;
	v10 =	vadd.f32 v11, v10;
	vm0 =	veq.s32 v5, v8;
	v11 =	vadd.f32 v14, v9;
	v14 =	vld [tilespmem:s22+$0x2480]  }
0x35: {  	v9 =	vmov s25;
	v15 =	vnsel vm0, $0x0, v12  }
0x36: {  	s26 =	sor.u32 $0x9, s20;
	v12 =	vadd.f32 v12, v10;
	vm0 =	veq.s32 v5, v9;
	v11 =	vadd.f32 v15, v11;
	v15 =	vld [tilespmem:s22+$0x2500]  }
0x37: {  	v10 =	vmov s26;
	v16 =	vnsel vm0, $0x0, v13  }
0x38: {  	s29 =	sor.u32 $0xA, s20;
	v12 =	vadd.f32 v13, v12;
	vm0 =	veq.s32 v5, v10;
	v13 =	vadd.f32 v16, v11;
	v16 =	vld [tilespmem:s22+$0x2580]  }
0x39: {  	v11 =	vmov s29;
	v17 =	vnsel vm0, $0x0, v14  }
0x3a: {  	s30 =	sor.u32 $0xB, s20;
	v14 =	vadd.f32 v14, v12;
	vm0 =	veq.s32 v5, v11;
	v13 =	vadd.f32 v17, v13;
	v17 =	vld [tilespmem:s22+$0x2600]  }
0x3b: {  	v12 =	vmov s30;
	v18 =	vnsel vm0, $0x0, v15  }
0x3c: {  	s31 =	sor.u32 $0xC, s20;
	v14 =	vadd.f32 v15, v14;
	vm0 =	veq.s32 v5, v12;
	v15 =	vadd.f32 v18, v13;
	v18 =	vld [tilespmem:s22+$0x2680]  }
0x3d: {  	v13 =	vmov s31;
	v19 =	vnsel vm0, $0x0, v16  }
0x3e: {  	s24 =	sor.u32 $0xD, s20;
	v16 =	vadd.f32 v16, v14;
	vm0 =	veq.s32 v5, v13;
	v15 =	vadd.f32 v19, v15;
	v19 =	vld [tilespmem:s22+$0x2700]  }
0x3f: {  	v14 =	vmov s24;
	v20 =	vnsel vm0, $0x0, v17  }
0x40: {  	s25 =	sor.u32 $0xE, s20;
	v16 =	vadd.f32 v17, v16;
	vm0 =	veq.s32 v5, v14;
	v17 =	vadd.f32 v20, v15;
	v20 =	vld [tilespmem:s22+$0x2780]  }
0x41: {  	v15 =	vmov s25;
	v21 =	vnsel vm0, $0x0, v18  }
0x42: {  	s26 =	sor.u32 $0xF, s20;
	v18 =	vadd.f32 v18, v16;
	vm0 =	veq.s32 v5, v15;
	v17 =	vadd.f32 v21, v17;
	v21 =	vld [tilespmem:s22+$0x4400]  }
0x43: {  	v16 =	vmov s26;
	v22 =	vnsel vm0, $0x0, v19  }
0x44: {  	s29 =	sor.u32 $0x10, s20;
	v18 =	vadd.f32 v19, v18;
	vm0 =	veq.s32 v5, v16;
	v19 =	vadd.f32 v22, v17;
	v22 =	vld [tilespmem:s22+$0x4480]  }
0x45: {  	v17 =	vmov s29;
	v23 =	vnsel vm0, $0x0, v20  }
0x46: {  	s30 =	sor.u32 $0x11, s20;
	v20 =	vadd.f32 v20, v18;
	vm0 =	veq.s32 v5, v17;
	v19 =	vadd.f32 v23, v19;
	v23 =	vld [tilespmem:s22+$0x4500]  }
0x47: {  	v18 =	vmov s30;
	v24 =	vnsel vm0, $0x0, v21  }
0x48: {  	s31 =	sor.u32 $0x12, s20;
	v21 =	vadd.f32 v21, v20;
	vm0 =	veq.s32 v5, v18;
	v19 =	vadd.f32 v24, v19;
	v24 =	vld [tilespmem:s22+$0x4580]  }
0x49: {  	v20 =	vmov s31;
	v25 =	vnsel vm0, $0x0, v22  }
0x4a: {  	v26 =	vld [tilespmem:s22+$0x4600];
	s24 =	sor.u32 $0x13, s20;
	v22 =	vadd.f32 v22, v21;
	vm0 =	veq.s32 v5, v20;
	v19 =	vadd.f32 v25, v19  }
0x4b: {  	v21 =	vmov s24;
	v25 =	vnsel vm0, $0x0, v23  }
0x4c: {  	v27 =	vld [tilespmem:s22+$0x4680];
	s25 =	sor.u32 $0x14, s20;
	v23 =	vadd.f32 v23, v22;
	vm0 =	veq.s32 v5, v21;
	v19 =	vadd.f32 v25, v19  }
0x4d: {  	v22 =	vmov s25;
	v25 =	vnsel vm0, $0x0, v24  }
0x4e: {  	s26 =	sor.u32 $0x15, s20;
	v23 =	vadd.f32 v24, v23;
	vm0 =	veq.s32 v5, v22;
	v24 =	vld [tilespmem:s22+$0x4700];
	v19 =	vadd.f32 v25, v19  }
0x4f: {  	v25 =	vmov s26;
	v28 =	vnsel vm0, $0x0, v26  }
0x50: {  	s29 =	sor.u32 $0x16, s20;
	v23 =	vadd.f32 v26, v23;
	vm0 =	veq.s32 v5, v25;
	v19 =	vadd.f32 v28, v19;
	v28 =	vld [tilespmem:s22+$0x4780]  }
0x51: {  	v26 =	vmov s29;
	v29 =	vnsel vm0, $0x0, v27  }
0x52: {  	v30 =	vld [tilespmem:s22+$0x6400];
	s30 =	sor.u32 $0x17, s20;
	vm0 =	veq.s32 v5, v26;
	v23 =	vadd.f32 v27, v23;
	v19 =	vadd.f32 v29, v19  }
0x53: {  	v27 =	vmov s30;
	v29 =	vnsel vm0, $0x0, v24  }
0x54: {  	s31 =	sor.u32 $0x18, s20;
	vm0 =	veq.s32 v5, v27;
	v23 =	vadd.f32 v24, v23;
	v24 =	vld [tilespmem:s22+$0x6480];
	v19 =	vadd.f32 v29, v19  }
0x55: {  	v29 =	vmov s31;
	v31 =	vnsel vm0, $0x0, v28  }
0x56: {  	s24 =	sor.u32 $0x19, s20;
	v23 =	vadd.f32 v28, v23;
	vm0 =	veq.s32 v5, v29;
	v28 =	vld [tilespmem:s22+$0x6500];
	v19 =	vadd.f32 v31, v19  }
0x57: {  	v32 =	vmov s24;
	v31 =	vnsel vm0, $0x0, v30  }
0x58: {  	v33 =	vld [tilespmem:s22+$0x6580];
	s25 =	sor.u32 $0x1A, s20;
	vm0 =	veq.s32 v5, v32;
	v23 =	vadd.f32 v30, v23;
	v19 =	vadd.f32 v31, v19  }
0x59: {  	v31 =	vmov s25;
	v30 =	vnsel vm0, $0x0, v24  }
0x5a: {  	v36 =	vld [tilespmem:s22+$0x6600];
	s26 =	sor.u32 $0x1B, s20;
	v23 =	vadd.f32 v24, v23;
	vm0 =	veq.s32 v5, v31;
	v19 =	vadd.f32 v30, v19  }
0x5b: {  	v30 =	vmov s26;
	v24 =	vnsel vm0, $0x0, v28  }
0x5c: {  	v34 =	vld [tilespmem:s22+$0x6680];
	s29 =	sor.u32 $0x1C, s20;
	s30 =	sor.u32 $0x1D, s20;
	v35 =	vadd.f32 v28, v23;
	vm0 =	veq.s32 v5, v30;
	v19 =	vadd.f32 v24, v19  }
0x5d: {  	v28 =	vmov s29;
	v23 =	vmov s30;
	v24 =	vnsel vm0, $0x0, v33  }
0x5e: {  	s31 =	sor.u32 $0x1E, s20;
	s20 =	sor.u32 $0x1F, s20;
	vm0 =	veq.s32 v5, v28;
	v33 =	vadd.f32 v33, v35;
	v35 =	vld [tilespmem:s22+$0x6700];
	v38 =	vadd.f32 v24, v19  }
0x5f: {  	s23 =	simm.s32 $0x10;
	s24 =	simm.s32 $0x20;
	v39 =	vnsel vm0, $0x0, v36;
	vm0 =	veq.s32 v5, v23;
	v19 =	vmov s20;
	s20 =	simm.s32 $0x80  }
0x60: {  	s26 =	sand.u32 $0x70, s23;
	v24 =	vmov s31;
	s28 =	sand.u32 $0x1C00, s20;
	v37 =	vadd.f32 v36, v33;
	v36 =	vld [tilespmem:s22+$0x6780];
	s22 =	simm.s32 $0x10;
	v38 =	vadd.f32 v39, v38  }
.LBB2_3:
0x61: {  	p0 =	sne.s32 s24, $0x3F0;
	v33 =	vld [tilespmem:s23+$0x0];
	s25 =	sor.u32 s26, s28;
	v39 =	vnsel vm0, $0x0, v34  }
0x62: {  	vm0 =	veq.s32 v5, v24;
	v40 =	vld [tilespmem:s25+$0x400];
	v34 =	vadd.f32 v34, v37;
	v37 =	vadd.f32 v39, v38  }
0x63: {  	v38 =	vnsel vm0, $0x0, v35  }
0x64: {  	vm0 =	veq.s32 v5, v19;
	v39 =	vld [tilespmem:s25+$0x480];
	v34 =	vadd.f32 v35, v34;
	v35 =	vadd.f32 v38, v37  }
0x65: {  	v38 =	vnsel vm0, $0x0, v36  }
0x66: {  	vm0 =	veq.s32 v33, v2;
	v37 =	vld [tilespmem:s25+$0x500];
	v34 =	vadd.f32 v36, v34;
	v35 =	vadd.f32 v38, v35;
	v5 =	vmovc v33  }
0x67: {  	v33 =	vnsel vm0, $0x0, v40  }
0x68: {  	vm0 =	veq.s32 v5, v0;
	v34 =	vadd.f32 v40, v34;
	v33 =	vadd.f32 v33, v35;
	v35 =	vld [tilespmem:s25+$0x580]  }
0x69: {  	v36 =	vnsel vm0, $0x0, v39  }
0x6a: {  	vm0 =	veq.s32 v5, v1;
	v34 =	vadd.f32 v39, v34;
	v33 =	vadd.f32 v36, v33;
	v36 =	vld [tilespmem:s25+$0x600]  }
0x6b: {  	v38 =	vnsel vm0, $0x0, v37  }
0x6c: {  	vm0 =	veq.s32 v5, v3;
	v34 =	vadd.f32 v37, v34;
	v33 =	vadd.f32 v38, v33;
	v37 =	vld [tilespmem:s25+$0x680]  }
0x6d: {  	v38 =	vnsel vm0, $0x0, v35  }
0x6e: {  	s26 =	sor.u32 s20, s22;
	s22 =	smov.u32 s24;
	vm0 =	veq.s32 v5, v4;
	v34 =	vadd.f32 v35, v34;
	v33 =	vadd.f32 v38, v33;
	v35 =	vld [tilespmem:s25+$0x700]  }
0x6f: {  	s26 =	sor.u32 $0x380, s26;
	v38 =	vnsel vm0, $0x0, v36  }
0x70: {  	vm0 =	veq.s32 v5, v6;
	v34 =	vadd.f32 v36, v34;
	v33 =	vadd.f32 v38, v33;
	v36 =	vld [tilespmem:s26+$0x400]  }
0x71: {  	v38 =	vnsel vm0, $0x0, v37  }
0x72: {  	vm0 =	veq.s32 v5, v7;
	v34 =	vadd.f32 v37, v34;
	v33 =	vadd.f32 v38, v33;
	v37 =	vld [tilespmem:s25+$0x2400]  }
0x73: {  	v38 =	vnsel vm0, $0x0, v35  }
0x74: {  	vm0 =	veq.s32 v5, v8;
	v34 =	vadd.f32 v35, v34;
	v33 =	vadd.f32 v38, v33;
	v35 =	vld [tilespmem:s25+$0x2480]  }
0x75: {  	v38 =	vnsel vm0, $0x0, v36  }
0x76: {  	vm0 =	veq.s32 v5, v9;
	v34 =	vadd.f32 v36, v34;
	v33 =	vadd.f32 v38, v33;
	v36 =	vld [tilespmem:s25+$0x2500]  }
0x77: {  	v38 =	vnsel vm0, $0x0, v37  }
0x78: {  	vm0 =	veq.s32 v5, v10;
	v34 =	vadd.f32 v37, v34;
	v33 =	vadd.f32 v38, v33;
	v37 =	vld [tilespmem:s25+$0x2580]  }
0x79: {  	v38 =	vnsel vm0, $0x0, v35  }
0x7a: {  	vm0 =	veq.s32 v5, v11;
	v34 =	vadd.f32 v35, v34;
	v33 =	vadd.f32 v38, v33;
	v35 =	vld [tilespmem:s25+$0x2600]  }
0x7b: {  	v38 =	vnsel vm0, $0x0, v36  }
0x7c: {  	vm0 =	veq.s32 v5, v12;
	v34 =	vadd.f32 v36, v34;
	v33 =	vadd.f32 v38, v33;
	v36 =	vld [tilespmem:s25+$0x2680]  }
0x7d: {  	v38 =	vnsel vm0, $0x0, v37  }
0x7e: {  	vm0 =	veq.s32 v5, v13;
	v34 =	vadd.f32 v37, v34;
	v33 =	vadd.f32 v38, v33;
	v37 =	vld [tilespmem:s25+$0x2700]  }
0x7f: {  	v38 =	vnsel vm0, $0x0, v35  }
0x80: {  	vm0 =	veq.s32 v5, v14;
	v34 =	vadd.f32 v35, v34;
	v33 =	vadd.f32 v38, v33;
	v35 =	vld [tilespmem:s25+$0x2780]  }
0x81: {  	v38 =	vnsel vm0, $0x0, v36  }
0x82: {  	vm0 =	veq.s32 v5, v15;
	v34 =	vadd.f32 v36, v34;
	v33 =	vadd.f32 v38, v33;
	v36 =	vld [tilespmem:s25+$0x4400]  }
0x83: {  	v38 =	vnsel vm0, $0x0, v37  }
0x84: {  	vm0 =	veq.s32 v5, v16;
	v34 =	vadd.f32 v37, v34;
	v33 =	vadd.f32 v38, v33;
	v37 =	vld [tilespmem:s25+$0x4480]  }
0x85: {  	v38 =	vnsel vm0, $0x0, v35  }
0x86: {  	vm0 =	veq.s32 v5, v17;
	v34 =	vadd.f32 v35, v34;
	v33 =	vadd.f32 v38, v33;
	v35 =	vld [tilespmem:s25+$0x4500]  }
0x87: {  	v38 =	vnsel vm0, $0x0, v36  }
0x88: {  	vm0 =	veq.s32 v5, v18;
	v34 =	vadd.f32 v36, v34;
	v33 =	vadd.f32 v38, v33;
	v36 =	vld [tilespmem:s25+$0x4580]  }
0x89: {  	v38 =	vnsel vm0, $0x0, v37  }
0x8a: {  	vm0 =	veq.s32 v5, v20;
	v34 =	vadd.f32 v37, v34;
	v33 =	vadd.f32 v38, v33;
	v37 =	vld [tilespmem:s25+$0x4600]  }
0x8b: {  	v38 =	vnsel vm0, $0x0, v35  }
0x8c: {  	vm0 =	veq.s32 v5, v21;
	v34 =	vadd.f32 v35, v34;
	v33 =	vadd.f32 v38, v33;
	v35 =	vld [tilespmem:s25+$0x4680]  }
0x8d: {  	v38 =	vnsel vm0, $0x0, v36  }
0x8e: {  	vm0 =	veq.s32 v5, v22;
	v34 =	vadd.f32 v36, v34;
	v33 =	vadd.f32 v38, v33;
	v36 =	vld [tilespmem:s25+$0x4700]  }
0x8f: {  	v38 =	vnsel vm0, $0x0, v37  }
0x90: {  	vm0 =	veq.s32 v5, v25;
	v34 =	vadd.f32 v37, v34;
	v33 =	vadd.f32 v38, v33;
	v37 =	vld [tilespmem:s25+$0x4780]  }
0x91: {  	v38 =	vnsel vm0, $0x0, v35  }
0x92: {  	vm0 =	veq.s32 v5, v26;
	v34 =	vadd.f32 v35, v34;
	v33 =	vadd.f32 v38, v33;
	v35 =	vld [tilespmem:s25+$0x6400]  }
0x93: {  	v38 =	vnsel vm0, $0x0, v36  }
0x94: {  	vm0 =	veq.s32 v5, v27;
	v34 =	vadd.f32 v36, v34;
	v33 =	vadd.f32 v38, v33;
	v36 =	vld [tilespmem:s25+$0x6480]  }
0x95: {  	v38 =	vnsel vm0, $0x0, v37  }
0x96: {  	vm0 =	veq.s32 v5, v29;
	v34 =	vadd.f32 v37, v34;
	v33 =	vadd.f32 v38, v33;
	v37 =	vld [tilespmem:s25+$0x6500]  }
0x97: {  	v38 =	vnsel vm0, $0x0, v35  }
0x98: {  	vm0 =	veq.s32 v5, v32;
	v34 =	vadd.f32 v35, v34;
	v33 =	vadd.f32 v38, v33;
	v35 =	vld [tilespmem:s25+$0x6580]  }
0x99: {  	v38 =	vnsel vm0, $0x0, v36  }
0x9a: {  	vm0 =	veq.s32 v5, v31;
	v34 =	vadd.f32 v36, v34;
	v33 =	vadd.f32 v38, v33;
	v36 =	vld [tilespmem:s25+$0x6600]  }
0x9b: {  	v38 =	vnsel vm0, $0x0, v37  }
.Ltmp2:
0x9c: {  	vm0 =	veq.s32 v5, v30;
	v37 =	vadd.f32 v37, v34;
	v33 =	vadd.f32 v38, v33;
	v34 =	vld [tilespmem:s25+$0x6680];
	(pc) =	sbr.rel @p0 .LBB2_3-.Ltmp2, $4  }
0x9d: {  	v38 =	vnsel vm0, $0x0, v35  }
0x9e: {  	vm0 =	veq.s32 v5, v28;
	v37 =	vadd.f32 v35, v37;
	v33 =	vadd.f32 v38, v33;
	v35 =	vld [tilespmem:s25+$0x6700]  }
0x9f: {  	s20 =	sadd.s32 $0x80, s20;
	s23 =	sadd.s32 $0x10, s23;
	v38 =	vnsel vm0, $0x0, v36  }
0xa0: {  	s24 =	sadd.s32 $0x10, s24;
	s28 =	sand.u32 $0x1C00, s20;
	s26 =	sand.u32 $0x70, s22;
	vm0 =	veq.s32 v5, v23;
	v37 =	vadd.f32 v36, v37;
	v38 =	vadd.f32 v38, v33;
	v36 =	vld [tilespmem:s25+$0x6780]  }
0xa1: {  	v33 =	vld [tilespmem:s23+$0x0];
	s25 =	sor.u32 s26, s28;
	v39 =	vnsel vm0, $0x0, v34  }
0xa2: {  	vm0 =	veq.s32 v5, v24;
	v40 =	vld [tilespmem:s25+$0x400];
	v46 =	vadd.f32 v34, v37;
	v47 =	vadd.f32 v39, v38  }
0xa3: {  	v48 =	vnsel vm0, $0x0, v35  }
0xa4: {  	v49 =	vld [tilespmem:s25+$0x480];
	vm0 =	veq.s32 v5, v19;
	v34 =	vadd.f32 v35, v46;
	v50 =	vadd.f32 v48, v47  }
0xa5: {  	v5 =	vnsel vm0, $0x0, v36  }
0xa6: {  	vm0 =	veq.s32 v33, v2;
	v2 =	vld [tilespmem:s25+$0x500];
	v34 =	vadd.f32 v36, v34;
	v5 =	vadd.f32 v5, v50  }
0xa7: {  	v51 =	vnsel vm0, $0x0, v40  }
0xa8: {  	vm0 =	veq.s32 v33, v0;
	v0 =	vld [tilespmem:s25+$0x580];
	v34 =	vadd.f32 v40, v34;
	v5 =	vadd.f32 v51, v5  }
0xa9: {  	v52 =	vnsel vm0, $0x0, v49  }
0xaa: {  	vm0 =	veq.s32 v33, v1;
	v1 =	vld [tilespmem:s25+$0x600];
	v34 =	vadd.f32 v49, v34;
	v5 =	vadd.f32 v52, v5  }
0xab: {  	v53 =	vnsel vm0, $0x0, v2  }
0xac: {  	vm0 =	veq.s32 v33, v3;
	v3 =	vld [tilespmem:s25+$0x680];
	v2 =	vadd.f32 v2, v34;
	v5 =	vadd.f32 v53, v5  }
0xad: {  	v54 =	vnsel vm0, $0x0, v0  }
0xae: {  	s20 =	sor.u32 s20, s22;
	vm0 =	veq.s32 v33, v4;
	v4 =	vld [tilespmem:s25+$0x700];
	v0 =	vadd.f32 v0, v2;
	v2 =	vadd.f32 v54, v5  }
0xaf: {  	s20 =	sor.u32 $0x380, s20;
	v5 =	vnsel vm0, $0x0, v1  }
0xb0: {  	vm0 =	veq.s32 v33, v6;
	v0 =	vadd.f32 v1, v0;
	v1 =	vadd.f32 v5, v2;
	v2 =	vld [tilespmem:s20+$0x400]  }
0xb1: {  	v5 =	vnsel vm0, $0x0, v3  }
0xb2: {  	vm0 =	veq.s32 v33, v7;
	v0 =	vadd.f32 v3, v0;
	v1 =	vadd.f32 v5, v1;
	v3 =	vld [tilespmem:s25+$0x2400]  }
0xb3: {  	v5 =	vnsel vm0, $0x0, v4  }
0xb4: {  	vm0 =	veq.s32 v33, v8;
	v0 =	vadd.f32 v4, v0;
	v1 =	vadd.f32 v5, v1;
	v4 =	vld [tilespmem:s25+$0x2480]  }
0xb5: {  	v5 =	vnsel vm0, $0x0, v2  }
0xb6: {  	vm0 =	veq.s32 v33, v9;
	v0 =	vadd.f32 v2, v0;
	v1 =	vadd.f32 v5, v1;
	v2 =	vld [tilespmem:s25+$0x2500]  }
0xb7: {  	v5 =	vnsel vm0, $0x0, v3  }
0xb8: {  	vm0 =	veq.s32 v33, v10;
	v0 =	vadd.f32 v3, v0;
	v1 =	vadd.f32 v5, v1;
	v3 =	vld [tilespmem:s25+$0x2580]  }
0xb9: {  	v5 =	vnsel vm0, $0x0, v4  }
0xba: {  	vm0 =	veq.s32 v33, v11;
	v0 =	vadd.f32 v4, v0;
	v1 =	vadd.f32 v5, v1;
	v4 =	vld [tilespmem:s25+$0x2600]  }
0xbb: {  	v5 =	vnsel vm0, $0x0, v2  }
0xbc: {  	vm0 =	veq.s32 v33, v12;
	v0 =	vadd.f32 v2, v0;
	v1 =	vadd.f32 v5, v1;
	v2 =	vld [tilespmem:s25+$0x2680]  }
0xbd: {  	v5 =	vnsel vm0, $0x0, v3  }
0xbe: {  	vm0 =	veq.s32 v33, v13;
	v0 =	vadd.f32 v3, v0;
	v1 =	vadd.f32 v5, v1;
	v3 =	vld [tilespmem:s25+$0x2700]  }
0xbf: {  	v5 =	vnsel vm0, $0x0, v4  }
0xc0: {  	vm0 =	veq.s32 v33, v14;
	v0 =	vadd.f32 v4, v0;
	v1 =	vadd.f32 v5, v1;
	v4 =	vld [tilespmem:s25+$0x2780]  }
0xc1: {  	v5 =	vnsel vm0, $0x0, v2  }
0xc2: {  	vm0 =	veq.s32 v33, v15;
	v0 =	vadd.f32 v2, v0;
	v1 =	vadd.f32 v5, v1;
	v2 =	vld [tilespmem:s25+$0x4400]  }
0xc3: {  	v5 =	vnsel vm0, $0x0, v3  }
0xc4: {  	vm0 =	veq.s32 v33, v16;
	v0 =	vadd.f32 v3, v0;
	v1 =	vadd.f32 v5, v1;
	v3 =	vld [tilespmem:s25+$0x4480]  }
0xc5: {  	v5 =	vnsel vm0, $0x0, v4  }
0xc6: {  	vm0 =	veq.s32 v33, v17;
	v0 =	vadd.f32 v4, v0;
	v1 =	vadd.f32 v5, v1;
	v4 =	vld [tilespmem:s25+$0x4500]  }
0xc7: {  	v5 =	vnsel vm0, $0x0, v2  }
0xc8: {  	vm0 =	veq.s32 v33, v18;
	v0 =	vadd.f32 v2, v0;
	v1 =	vadd.f32 v5, v1;
	v2 =	vld [tilespmem:s25+$0x4580]  }
0xc9: {  	v5 =	vnsel vm0, $0x0, v3  }
0xca: {  	vm0 =	veq.s32 v33, v20;
	v0 =	vadd.f32 v3, v0;
	v1 =	vadd.f32 v5, v1;
	v3 =	vld [tilespmem:s25+$0x4600]  }
0xcb: {  	v5 =	vnsel vm0, $0x0, v4  }
0xcc: {  	vm0 =	veq.s32 v33, v21;
	v0 =	vadd.f32 v4, v0;
	v1 =	vadd.f32 v5, v1;
	v4 =	vld [tilespmem:s25+$0x4680]  }
0xcd: {  	v5 =	vnsel vm0, $0x0, v2  }
0xce: {  	vm0 =	veq.s32 v33, v22;
	v0 =	vadd.f32 v2, v0;
	v1 =	vadd.f32 v5, v1;
	v2 =	vld [tilespmem:s25+$0x4700]  }
0xcf: {  	v5 =	vnsel vm0, $0x0, v3  }
0xd0: {  	vm0 =	veq.s32 v33, v25;
	v0 =	vadd.f32 v3, v0;
	v1 =	vadd.f32 v5, v1;
	v3 =	vld [tilespmem:s25+$0x4780]  }
0xd1: {  	v5 =	vnsel vm0, $0x0, v4  }
0xd2: {  	vm0 =	veq.s32 v33, v26;
	v0 =	vadd.f32 v4, v0;
	v1 =	vadd.f32 v5, v1;
	v4 =	vld [tilespmem:s25+$0x6400]  }
0xd3: {  	v5 =	vnsel vm0, $0x0, v2  }
0xd4: {  	vm0 =	veq.s32 v33, v27;
	v0 =	vadd.f32 v2, v0;
	v1 =	vadd.f32 v5, v1;
	v2 =	vld [tilespmem:s25+$0x6480]  }
0xd5: {  	v5 =	vnsel vm0, $0x0, v3  }
0xd6: {  	vm0 =	veq.s32 v33, v29;
	v0 =	vadd.f32 v3, v0;
	v1 =	vadd.f32 v5, v1;
	v3 =	vld [tilespmem:s25+$0x6500]  }
0xd7: {  	v5 =	vnsel vm0, $0x0, v4  }
0xd8: {  	vm0 =	veq.s32 v33, v32;
	v0 =	vadd.f32 v4, v0;
	v1 =	vadd.f32 v5, v1;
	v4 =	vld [tilespmem:s25+$0x6580]  }
0xd9: {  	p0 =	seq.s32 s19, $0x16;
	s20 =	sshll.u32 s19, $0x10;
	v5 =	vnsel vm0, $0x0, v2  }
0xda: {  	v6 =	vld [tilespmem:s25+$0x6600];
	s22 =	sadd.s32 @!p0 s20, s8;
	vm0 =	veq.s32 v33, v31;
	v0 =	vadd.f32 v2, v0;
	v1 =	vadd.f32 v5, v1  }
0xdb: {  	v7 =	vld [tilespmem:s25+$0x6700];
	s22 =	sshrl.u32 @!p0 s22, $0x3;
	v5 =	vnsel vm0, $0x0, v3  }
0xdc: {  	s23 =	simm.s32 @!p0 $0x0;
	s24 =	simm.s32 @!p0 $0x400;
	s22 =	sadd.s32 @!p0 s1, s22;
	v2 =	vld [tilespmem:s25+$0x6680];
	vm0 =	veq.s32 v33, v30;
	v0 =	vadd.f32 v3, v0;
	v1 =	vadd.f32 v5, v1  }
0xdd: {  	v3 =	vld [tilespmem:s25+$0x6780];
	[tilespmem:s24], [sflag:$0x1] =	stream.linear.gather @!p0 [hbm4b:s22+s23], $0x8000, $0x38;
	v5 =	vnsel vm0, $0x0, v4  }
0xde: {  	vm0 =	veq.s32 v33, v28;
	_ =	swait.ge [sflag:s16], $0x8000;
	v0 =	vadd.f32 v4, v0;
	v1 =	vadd.f32 v5, v1  }
0xdf: {  	s23 =	simm.s32 $0x0;
	v4 =	vnsel vm0, $0x0, v6;
	[sflag:s16] =	ssyncset.done $0x0  }
0xe0: {  	s26 =	sand.u32 $0x70, s23;
	s29 =	sand.u32 $0x1C00, s23;
	vm0 =	veq.s32 v33, v23;
	[sflag:s16] =	ssyncadd.s32 $0xFFFF8000;
	v5 =	vadd.f32 v6, v0;
	v1 =	vadd.f32 v4, v1  }
0xe1: {  	s22 =	sor.u32 s26, s29;
	v4 =	vnsel vm0, $0x0, v2;
	v0 =	vld [tilespmem:s23+$0x0]  }
0xe2: {  	vm0 =	veq.s32 v33, v24;
	v2 =	vadd.f32 v2, v5;
	v1 =	vadd.f32 v4, v1;
	v4 =	vld [tilespmem:s22+$0x8400]  }
0xe3: {  	s21 =	sadd.s32 s21, s5;
	v5 =	vnsel vm0, $0x0, v7  }
0xe4: {  	s30 =	sadd.s32 $0x20, s21;
	vm0 =	veq.s32 v33, v19;
	v6 =	vadd.f32 v7, v2;
	v1 =	vadd.f32 v5, v1;
	v5 =	vld [tilespmem:s22+$0x8480]  }
0xe5: {  	v7 =	vnsel vm0, $0x0, v3;
	v2 =	vmov s30  }
0xe6: {  	s31 =	sadd.s32 $0x21, s21;
	vm0 =	veq.s32 v0, v2;
	v3 =	vadd.f32 v3, v6;
	v6 =	vadd.f32 v7, v1;
	v7 =	vld [tilespmem:s22+$0x8500]  }
0xe7: {  	v1 =	vmov s31;
	v8 =	vnsel vm0, $0x0, v4  }
0xe8: {  	s25 =	sadd.s32 $0x22, s21;
	vm0 =	veq.s32 v0, v1;
	v4 =	vadd.f32 v4, v3;
	v6 =	vadd.f32 v8, v6;
	v8 =	vld [tilespmem:s22+$0x8580]  }
0xe9: {  	v3 =	vmov s25;
	v9 =	vnsel vm0, $0x0, v5  }
0xea: {  	s26 =	sadd.s32 $0x23, s21;
	vm0 =	veq.s32 v0, v3;
	v5 =	vadd.f32 v5, v4;
	v6 =	vadd.f32 v9, v6;
	v9 =	vld [tilespmem:s22+$0x8600]  }
0xeb: {  	v4 =	vmov s26;
	v10 =	vnsel vm0, $0x0, v7  }
0xec: {  	s29 =	sadd.s32 $0x24, s21;
	vm0 =	veq.s32 v0, v4;
	v7 =	vadd.f32 v7, v5;
	v6 =	vadd.f32 v10, v6;
	v10 =	vld [tilespmem:s22+$0x8680]  }
0xed: {  	v5 =	vmov s29;
	v11 =	vnsel vm0, $0x0, v8  }
0xee: {  	s23 =	sor.u32 s23, s23;
	s30 =	sadd.s32 $0x25, s21;
	vm0 =	veq.s32 v0, v5;
	v7 =	vadd.f32 v8, v7;
	v8 =	vadd.f32 v11, v6;
	v11 =	vld [tilespmem:s22+$0x8700]  }
0xef: {  	s23 =	sor.u32 $0x380, s23;
	v6 =	vmov s30;
	v12 =	vnsel vm0, $0x0, v9  }
0xf0: {  	s31 =	sadd.s32 $0x26, s21;
	vm0 =	veq.s32 v0, v6;
	v9 =	vadd.f32 v9, v7;
	v8 =	vadd.f32 v12, v8;
	v12 =	vld [tilespmem:s23+$0x8400]  }
0xf1: {  	v7 =	vmov s31;
	v13 =	vnsel vm0, $0x0, v10  }
0xf2: {  	s24 =	sadd.s32 $0x27, s21;
	vm0 =	veq.s32 v0, v7;
	v9 =	vadd.f32 v10, v9;
	v10 =	vadd.f32 v13, v8;
	v13 =	vld [tilespmem:s22+$0xA400]  }
0xf3: {  	v8 =	vmov s24;
	v14 =	vnsel vm0, $0x0, v11  }
0xf4: {  	s25 =	sadd.s32 $0x28, s21;
	vm0 =	veq.s32 v0, v8;
	v11 =	vadd.f32 v11, v9;
	v10 =	vadd.f32 v14, v10;
	v14 =	vld [tilespmem:s22+$0xA480]  }
0xf5: {  	v9 =	vmov s25;
	v15 =	vnsel vm0, $0x0, v12  }
0xf6: {  	s26 =	sadd.s32 $0x29, s21;
	vm0 =	veq.s32 v0, v9;
	v11 =	vadd.f32 v12, v11;
	v12 =	vadd.f32 v15, v10;
	v15 =	vld [tilespmem:s22+$0xA500]  }
0xf7: {  	v10 =	vmov s26;
	v16 =	vnsel vm0, $0x0, v13  }
0xf8: {  	s29 =	sadd.s32 $0x2A, s21;
	vm0 =	veq.s32 v0, v10;
	v13 =	vadd.f32 v13, v11;
	v12 =	vadd.f32 v16, v12;
	v16 =	vld [tilespmem:s22+$0xA580]  }
0xf9: {  	v11 =	vmov s29;
	v17 =	vnsel vm0, $0x0, v14  }
0xfa: {  	s30 =	sadd.s32 $0x2B, s21;
	vm0 =	veq.s32 v0, v11;
	v13 =	vadd.f32 v14, v13;
	v14 =	vadd.f32 v17, v12;
	v17 =	vld [tilespmem:s22+$0xA600]  }
0xfb: {  	v12 =	vmov s30;
	v18 =	vnsel vm0, $0x0, v15  }
0xfc: {  	s31 =	sadd.s32 $0x2C, s21;
	vm0 =	veq.s32 v0, v12;
	v15 =	vadd.f32 v15, v13;
	v14 =	vadd.f32 v18, v14;
	v18 =	vld [tilespmem:s22+$0xA680]  }
0xfd: {  	v13 =	vmov s31;
	v19 =	vnsel vm0, $0x0, v16  }
0xfe: {  	s24 =	sadd.s32 $0x2D, s21;
	vm0 =	veq.s32 v0, v13;
	v15 =	vadd.f32 v16, v15;
	v16 =	vadd.f32 v19, v14;
	v19 =	vld [tilespmem:s22+$0xA700]  }
0xff: {  	v14 =	vmov s24;
	v20 =	vnsel vm0, $0x0, v17  }
0x100: {  	s25 =	sadd.s32 $0x2E, s21;
	vm0 =	veq.s32 v0, v14;
	v17 =	vadd.f32 v17, v15;
	v16 =	vadd.f32 v20, v16;
	v20 =	vld [tilespmem:s22+$0xA780]  }
0x101: {  	v15 =	vmov s25;
	v21 =	vnsel vm0, $0x0, v18  }
0x102: {  	s26 =	sadd.s32 $0x2F, s21;
	vm0 =	veq.s32 v0, v15;
	v17 =	vadd.f32 v18, v17;
	v18 =	vadd.f32 v21, v16;
	v21 =	vld [tilespmem:s22+$0xC400]  }
0x103: {  	v16 =	vmov s26;
	v22 =	vnsel vm0, $0x0, v19  }
0x104: {  	s29 =	sadd.s32 $0x30, s21;
	vm0 =	veq.s32 v0, v16;
	v19 =	vadd.f32 v19, v17;
	v18 =	vadd.f32 v22, v18;
	v22 =	vld [tilespmem:s22+$0xC480]  }
0x105: {  	v17 =	vmov s29;
	v23 =	vnsel vm0, $0x0, v20  }
0x106: {  	s30 =	sadd.s32 $0x31, s21;
	vm0 =	veq.s32 v0, v17;
	v19 =	vadd.f32 v20, v19;
	v20 =	vadd.f32 v23, v18;
	v23 =	vld [tilespmem:s22+$0xC500]  }
0x107: {  	v18 =	vmov s30;
	v24 =	vnsel vm0, $0x0, v21  }
0x108: {  	s31 =	sadd.s32 $0x32, s21;
	vm0 =	veq.s32 v0, v18;
	v21 =	vadd.f32 v21, v19;
	v20 =	vadd.f32 v24, v20;
	v24 =	vld [tilespmem:s22+$0xC580]  }
0x109: {  	v19 =	vmov s31;
	v25 =	vnsel vm0, $0x0, v22  }
0x10a: {  	s24 =	sadd.s32 $0x33, s21;
	vm0 =	veq.s32 v0, v19;
	v21 =	vadd.f32 v22, v21;
	v22 =	vadd.f32 v25, v20;
	v25 =	vld [tilespmem:s22+$0xC600]  }
0x10b: {  	v20 =	vmov s24;
	v26 =	vnsel vm0, $0x0, v23  }
0x10c: {  	s25 =	sadd.s32 $0x34, s21;
	vm0 =	veq.s32 v0, v20;
	v23 =	vadd.f32 v23, v21;
	v22 =	vadd.f32 v26, v22;
	v26 =	vld [tilespmem:s22+$0xC680]  }
0x10d: {  	v21 =	vmov s25;
	v27 =	vnsel vm0, $0x0, v24  }
0x10e: {  	s26 =	sadd.s32 $0x35, s21;
	vm0 =	veq.s32 v0, v21;
	v23 =	vadd.f32 v24, v23;
	v24 =	vadd.f32 v27, v22;
	v27 =	vld [tilespmem:s22+$0xC700]  }
0x10f: {  	v22 =	vmov s26;
	v28 =	vnsel vm0, $0x0, v25  }
0x110: {  	s29 =	sadd.s32 $0x36, s21;
	vm0 =	veq.s32 v0, v22;
	v25 =	vadd.f32 v25, v23;
	v24 =	vadd.f32 v28, v24;
	v28 =	vld [tilespmem:s22+$0xC780]  }
0x111: {  	v23 =	vmov s29;
	v29 =	vnsel vm0, $0x0, v26  }
0x112: {  	s30 =	sadd.s32 $0x37, s21;
	vm0 =	veq.s32 v0, v23;
	v25 =	vadd.f32 v26, v25;
	v26 =	vadd.f32 v29, v24;
	v29 =	vld [tilespmem:s22+$0xE400]  }
0x113: {  	v24 =	vmov s30;
	v30 =	vnsel vm0, $0x0, v27  }
0x114: {  	s31 =	sadd.s32 $0x38, s21;
	vm0 =	veq.s32 v0, v24;
	v27 =	vadd.f32 v27, v25;
	v26 =	vadd.f32 v30, v26;
	v30 =	vld [tilespmem:s22+$0xE480]  }
0x115: {  	v25 =	vmov s31;
	v31 =	vnsel vm0, $0x0, v28  }
0x116: {  	s24 =	sadd.s32 $0x39, s21;
	vm0 =	veq.s32 v0, v25;
	v27 =	vadd.f32 v28, v27;
	v28 =	vadd.f32 v31, v26;
	v31 =	vld [tilespmem:s22+$0xE500]  }
0x117: {  	v26 =	vmov s24;
	v55 =	vnsel vm0, $0x0, v29  }
0x118: {  	v56 =	vld [tilespmem:s22+$0xE580];
	s25 =	sadd.s32 $0x3A, s21;
	vm0 =	veq.s32 v0, v26;
	v29 =	vadd.f32 v29, v27;
	v28 =	vadd.f32 v55, v28  }
0x119: {  	v27 =	vmov s25;
	v57 =	vnsel vm0, $0x0, v30  }
0x11a: {  	v58 =	vld [tilespmem:s22+$0xE600];
	s26 =	sadd.s32 $0x3B, s21;
	vm0 =	veq.s32 v0, v27;
	v29 =	vadd.f32 v30, v29;
	v28 =	vadd.f32 v57, v28  }
0x11b: {  	v30 =	vmov s26;
	v59 =	vnsel vm0, $0x0, v31  }
0x11c: {  	v34 =	vld [tilespmem:s22+$0xE680];
	s29 =	sadd.s32 $0x3C, s21;
	s31 =	sadd.s32 $0x3E, s21;
	vm0 =	veq.s32 v0, v30;
	v29 =	vadd.f32 v31, v29;
	v60 =	vadd.f32 v59, v28  }
0x11d: {  	v32 =	vmov s31;
	v31 =	vmov s29;
	v61 =	vnsel vm0, $0x0, v56  }
0x11e: {  	v35 =	vld [tilespmem:s22+$0xE700];
	s30 =	sadd.s32 $0x3D, s21;
	s21 =	sadd.s32 $0x3F, s21;
	vm0 =	veq.s32 v0, v31;
	v62 =	vadd.f32 v56, v29;
	v36 =	vadd.f32 v61, v60  }
0x11f: {  	s23 =	simm.s32 $0x10;
	s24 =	simm.s32 $0x20;
	v28 =	vmov s30;
	v29 =	vmov s21;
	v63 =	vnsel vm0, $0x0, v58;
	s21 =	simm.s32 $0x80  }
0x120: {  	s26 =	sand.u32 $0x70, s23;
	vm0 =	veq.s32 v0, v28;
	s28 =	sand.u32 $0x1C00, s21;
	v37 =	vadd.f32 v58, v62;
	v38 =	vadd.f32 v63, v36;
	v36 =	vld [tilespmem:s22+$0xE780];
	s22 =	simm.s32 $0x10  }
.LBB2_5:
0x121: {  	p1 =	sne.s32 s24, $0x3F0;
	v33 =	vld [tilespmem:s23+$0x0];
	s25 =	sor.u32 s26, s28;
	v39 =	vnsel vm0, $0x0, v34  }
0x122: {  	vm0 =	veq.s32 v0, v32;
	v40 =	vld [tilespmem:s25+$0x8400];
	v34 =	vadd.f32 v34, v37;
	v37 =	vadd.f32 v39, v38  }
0x123: {  	v38 =	vnsel vm0, $0x0, v35  }
0x124: {  	vm0 =	veq.s32 v0, v29;
	v39 =	vld [tilespmem:s25+$0x8480];
	v34 =	vadd.f32 v35, v34;
	v35 =	vadd.f32 v38, v37  }
0x125: {  	v38 =	vnsel vm0, $0x0, v36  }
0x126: {  	vm0 =	veq.s32 v33, v2;
	v37 =	vld [tilespmem:s25+$0x8500];
	v34 =	vadd.f32 v36, v34;
	v35 =	vadd.f32 v38, v35;
	v0 =	vmovc v33  }
0x127: {  	v33 =	vnsel vm0, $0x0, v40  }
0x128: {  	vm0 =	veq.s32 v0, v1;
	v34 =	vadd.f32 v40, v34;
	v33 =	vadd.f32 v33, v35;
	v35 =	vld [tilespmem:s25+$0x8580]  }
0x129: {  	v36 =	vnsel vm0, $0x0, v39  }
0x12a: {  	vm0 =	veq.s32 v0, v3;
	v34 =	vadd.f32 v39, v34;
	v33 =	vadd.f32 v36, v33;
	v36 =	vld [tilespmem:s25+$0x8600]  }
0x12b: {  	v38 =	vnsel vm0, $0x0, v37  }
0x12c: {  	vm0 =	veq.s32 v0, v4;
	v34 =	vadd.f32 v37, v34;
	v33 =	vadd.f32 v38, v33;
	v37 =	vld [tilespmem:s25+$0x8680]  }
0x12d: {  	v38 =	vnsel vm0, $0x0, v35  }
0x12e: {  	s26 =	sor.u32 s21, s22;
	s22 =	smov.u32 s24;
	vm0 =	veq.s32 v0, v5;
	v34 =	vadd.f32 v35, v34;
	v33 =	vadd.f32 v38, v33;
	v35 =	vld [tilespmem:s25+$0x8700]  }
0x12f: {  	s26 =	sor.u32 $0x380, s26;
	v38 =	vnsel vm0, $0x0, v36  }
0x130: {  	vm0 =	veq.s32 v0, v6;
	v34 =	vadd.f32 v36, v34;
	v33 =	vadd.f32 v38, v33;
	v36 =	vld [tilespmem:s26+$0x8400]  }
0x131: {  	v38 =	vnsel vm0, $0x0, v37  }
0x132: {  	vm0 =	veq.s32 v0, v7;
	v34 =	vadd.f32 v37, v34;
	v33 =	vadd.f32 v38, v33;
	v37 =	vld [tilespmem:s25+$0xA400]  }
0x133: {  	v38 =	vnsel vm0, $0x0, v35  }
0x134: {  	vm0 =	veq.s32 v0, v8;
	v34 =	vadd.f32 v35, v34;
	v33 =	vadd.f32 v38, v33;
	v35 =	vld [tilespmem:s25+$0xA480]  }
0x135: {  	v38 =	vnsel vm0, $0x0, v36  }
0x136: {  	vm0 =	veq.s32 v0, v9;
	v34 =	vadd.f32 v36, v34;
	v33 =	vadd.f32 v38, v33;
	v36 =	vld [tilespmem:s25+$0xA500]  }
0x137: {  	v38 =	vnsel vm0, $0x0, v37  }
0x138: {  	vm0 =	veq.s32 v0, v10;
	v34 =	vadd.f32 v37, v34;
	v33 =	vadd.f32 v38, v33;
	v37 =	vld [tilespmem:s25+$0xA580]  }
0x139: {  	v38 =	vnsel vm0, $0x0, v35  }
0x13a: {  	vm0 =	veq.s32 v0, v11;
	v34 =	vadd.f32 v35, v34;
	v33 =	vadd.f32 v38, v33;
	v35 =	vld [tilespmem:s25+$0xA600]  }
0x13b: {  	v38 =	vnsel vm0, $0x0, v36  }
0x13c: {  	vm0 =	veq.s32 v0, v12;
	v34 =	vadd.f32 v36, v34;
	v33 =	vadd.f32 v38, v33;
	v36 =	vld [tilespmem:s25+$0xA680]  }
0x13d: {  	v38 =	vnsel vm0, $0x0, v37  }
0x13e: {  	vm0 =	veq.s32 v0, v13;
	v34 =	vadd.f32 v37, v34;
	v33 =	vadd.f32 v38, v33;
	v37 =	vld [tilespmem:s25+$0xA700]  }
0x13f: {  	v38 =	vnsel vm0, $0x0, v35  }
0x140: {  	vm0 =	veq.s32 v0, v14;
	v34 =	vadd.f32 v35, v34;
	v33 =	vadd.f32 v38, v33;
	v35 =	vld [tilespmem:s25+$0xA780]  }
0x141: {  	v38 =	vnsel vm0, $0x0, v36  }
0x142: {  	vm0 =	veq.s32 v0, v15;
	v34 =	vadd.f32 v36, v34;
	v33 =	vadd.f32 v38, v33;
	v36 =	vld [tilespmem:s25+$0xC400]  }
0x143: {  	v38 =	vnsel vm0, $0x0, v37  }
0x144: {  	vm0 =	veq.s32 v0, v16;
	v34 =	vadd.f32 v37, v34;
	v33 =	vadd.f32 v38, v33;
	v37 =	vld [tilespmem:s25+$0xC480]  }
0x145: {  	v38 =	vnsel vm0, $0x0, v35  }
0x146: {  	vm0 =	veq.s32 v0, v17;
	v34 =	vadd.f32 v35, v34;
	v33 =	vadd.f32 v38, v33;
	v35 =	vld [tilespmem:s25+$0xC500]  }
0x147: {  	v38 =	vnsel vm0, $0x0, v36  }
0x148: {  	vm0 =	veq.s32 v0, v18;
	v34 =	vadd.f32 v36, v34;
	v33 =	vadd.f32 v38, v33;
	v36 =	vld [tilespmem:s25+$0xC580]  }
0x149: {  	v38 =	vnsel vm0, $0x0, v37  }
0x14a: {  	vm0 =	veq.s32 v0, v19;
	v34 =	vadd.f32 v37, v34;
	v33 =	vadd.f32 v38, v33;
	v37 =	vld [tilespmem:s25+$0xC600]  }
0x14b: {  	v38 =	vnsel vm0, $0x0, v35  }
0x14c: {  	vm0 =	veq.s32 v0, v20;
	v34 =	vadd.f32 v35, v34;
	v33 =	vadd.f32 v38, v33;
	v35 =	vld [tilespmem:s25+$0xC680]  }
0x14d: {  	v38 =	vnsel vm0, $0x0, v36  }
0x14e: {  	vm0 =	veq.s32 v0, v21;
	v34 =	vadd.f32 v36, v34;
	v33 =	vadd.f32 v38, v33;
	v36 =	vld [tilespmem:s25+$0xC700]  }
0x14f: {  	v38 =	vnsel vm0, $0x0, v37  }
0x150: {  	vm0 =	veq.s32 v0, v22;
	v34 =	vadd.f32 v37, v34;
	v33 =	vadd.f32 v38, v33;
	v37 =	vld [tilespmem:s25+$0xC780]  }
0x151: {  	v38 =	vnsel vm0, $0x0, v35  }
0x152: {  	vm0 =	veq.s32 v0, v23;
	v34 =	vadd.f32 v35, v34;
	v33 =	vadd.f32 v38, v33;
	v35 =	vld [tilespmem:s25+$0xE400]  }
0x153: {  	v38 =	vnsel vm0, $0x0, v36  }
0x154: {  	vm0 =	veq.s32 v0, v24;
	v34 =	vadd.f32 v36, v34;
	v33 =	vadd.f32 v38, v33;
	v36 =	vld [tilespmem:s25+$0xE480]  }
0x155: {  	v38 =	vnsel vm0, $0x0, v37  }
0x156: {  	vm0 =	veq.s32 v0, v25;
	v34 =	vadd.f32 v37, v34;
	v33 =	vadd.f32 v38, v33;
	v37 =	vld [tilespmem:s25+$0xE500]  }
0x157: {  	v38 =	vnsel vm0, $0x0, v35  }
0x158: {  	vm0 =	veq.s32 v0, v26;
	v34 =	vadd.f32 v35, v34;
	v33 =	vadd.f32 v38, v33;
	v35 =	vld [tilespmem:s25+$0xE580]  }
0x159: {  	v38 =	vnsel vm0, $0x0, v36  }
0x15a: {  	vm0 =	veq.s32 v0, v27;
	v34 =	vadd.f32 v36, v34;
	v33 =	vadd.f32 v38, v33;
	v36 =	vld [tilespmem:s25+$0xE600]  }
0x15b: {  	v38 =	vnsel vm0, $0x0, v37  }
.Ltmp3:
0x15c: {  	vm0 =	veq.s32 v0, v30;
	v37 =	vadd.f32 v37, v34;
	v33 =	vadd.f32 v38, v33;
	v34 =	vld [tilespmem:s25+$0xE680];
	(pc) =	sbr.rel @p1 .LBB2_5-.Ltmp3, $4  }
0x15d: {  	v38 =	vnsel vm0, $0x0, v35  }
0x15e: {  	vm0 =	veq.s32 v0, v31;
	v37 =	vadd.f32 v35, v37;
	v33 =	vadd.f32 v38, v33;
	v35 =	vld [tilespmem:s25+$0xE700]  }
0x15f: {  	s21 =	sadd.s32 $0x80, s21;
	s23 =	sadd.s32 $0x10, s23;
	v38 =	vnsel vm0, $0x0, v36  }
0x160: {  	s24 =	sadd.s32 $0x10, s24;
	s28 =	sand.u32 $0x1C00, s21;
	s26 =	sand.u32 $0x70, s22;
	vm0 =	veq.s32 v0, v28;
	v37 =	vadd.f32 v36, v37;
	v38 =	vadd.f32 v38, v33;
	v36 =	vld [tilespmem:s25+$0xE780]  }
0x161: {  	v33 =	vld [tilespmem:s23+$0x0];
	s31 =	sor.u32 s26, s28;
	v39 =	vnsel vm0, $0x0, v34  }
0x162: {  	vm6 =	veq.s32 v0, v32;
	v40 =	vld [tilespmem:s31+$0x8400];
	v55 =	vadd.f32 v34, v37;
	v56 =	vadd.f32 v39, v38  }
0x163: {  	v57 =	vnsel vm6, $0x0, v35  }
0x164: {  	vm7 =	veq.s32 v0, v29;
	v58 =	vld [tilespmem:s31+$0x8480];
	v34 =	vadd.f32 v35, v55;
	v59 =	vadd.f32 v57, v56  }
0x165: {  	v0 =	vnsel vm7, $0x0, v36  }
0x166: {  	vm8 =	veq.s32 v33, v2;
	v2 =	vld [tilespmem:s31+$0x8500];
	v34 =	vadd.f32 v36, v34;
	v0 =	vadd.f32 v0, v59  }
0x167: {  	v60 =	vnsel vm8, $0x0, v40  }
0x168: {  	vm9 =	veq.s32 v33, v1;
	v1 =	vld [tilespmem:s31+$0x8580];
	v34 =	vadd.f32 v40, v34;
	v0 =	vadd.f32 v60, v0  }
0x169: {  	v61 =	vnsel vm9, $0x0, v58  }
0x16a: {  	vm10 =	veq.s32 v33, v3;
	v3 =	vld [tilespmem:s31+$0x8600];
	v34 =	vadd.f32 v58, v34;
	v0 =	vadd.f32 v61, v0  }
0x16b: {  	v62 =	vnsel vm10, $0x0, v2  }
0x16c: {  	vm11 =	veq.s32 v33, v4;
	v4 =	vld [tilespmem:s31+$0x8680];
	v2 =	vadd.f32 v2, v34;
	v0 =	vadd.f32 v62, v0  }
0x16d: {  	v63 =	vnsel vm11, $0x0, v1  }
0x16e: {  	s21 =	sor.u32 s21, s22;
	vm12 =	veq.s32 v33, v5;
	v1 =	vadd.f32 v1, v2;
	v0 =	vadd.f32 v63, v0;
	v2 =	vld [tilespmem:s31+$0x8700]  }
0x16f: {  	s21 =	sor.u32 $0x380, s21;
	v5 =	vnsel vm12, $0x0, v3  }
0x170: {  	vm13 =	veq.s32 v33, v6;
	v1 =	vadd.f32 v3, v1;
	v0 =	vadd.f32 v5, v0;
	v3 =	vld [tilespmem:s21+$0x8400]  }
0x171: {  	v5 =	vnsel vm13, $0x0, v4  }
0x172: {  	vm14 =	veq.s32 v33, v7;
	v1 =	vadd.f32 v4, v1;
	v0 =	vadd.f32 v5, v0;
	v4 =	vld [tilespmem:s31+$0xA400]  }
0x173: {  	v5 =	vnsel vm14, $0x0, v2  }
0x174: {  	vm15 =	veq.s32 v33, v8;
	v1 =	vadd.f32 v2, v1;
	v0 =	vadd.f32 v5, v0;
	v2 =	vld [tilespmem:s31+$0xA480]  }
0x175: {  	v5 =	vnsel vm15, $0x0, v3  }
0x176: {  	vm4 =	veq.s32 v33, v9;
	v1 =	vadd.f32 v3, v1;
	v0 =	vadd.f32 v5, v0;
	v3 =	vld [tilespmem:s31+$0xA500]  }
0x177: {  	v5 =	vnsel vm4, $0x0, v4  }
0x178: {  	vm5 =	veq.s32 v33, v10;
	v1 =	vadd.f32 v4, v1;
	v0 =	vadd.f32 v5, v0;
	v4 =	vld [tilespmem:s31+$0xA580]  }
0x179: {  	v5 =	vnsel vm5, $0x0, v2  }
0x17a: {  	vm6 =	veq.s32 v33, v11;
	v1 =	vadd.f32 v2, v1;
	v0 =	vadd.f32 v5, v0;
	v2 =	vld [tilespmem:s31+$0xA600]  }
0x17b: {  	v5 =	vnsel vm6, $0x0, v3  }
0x17c: {  	vm7 =	veq.s32 v33, v12;
	v1 =	vadd.f32 v3, v1;
	v0 =	vadd.f32 v5, v0;
	v3 =	vld [tilespmem:s31+$0xA680]  }
0x17d: {  	v5 =	vnsel vm7, $0x0, v4  }
0x17e: {  	vm8 =	veq.s32 v33, v13;
	v1 =	vadd.f32 v4, v1;
	v0 =	vadd.f32 v5, v0;
	v4 =	vld [tilespmem:s31+$0xA700]  }
0x17f: {  	v5 =	vnsel vm8, $0x0, v2  }
0x180: {  	vm9 =	veq.s32 v33, v14;
	v1 =	vadd.f32 v2, v1;
	v0 =	vadd.f32 v5, v0;
	v2 =	vld [tilespmem:s31+$0xA780]  }
0x181: {  	v5 =	vnsel vm9, $0x0, v3  }
0x182: {  	vm10 =	veq.s32 v33, v15;
	v1 =	vadd.f32 v3, v1;
	v0 =	vadd.f32 v5, v0;
	v3 =	vld [tilespmem:s31+$0xC400]  }
0x183: {  	v5 =	vnsel vm10, $0x0, v4  }
0x184: {  	vm11 =	veq.s32 v33, v16;
	v1 =	vadd.f32 v4, v1;
	v0 =	vadd.f32 v5, v0;
	v4 =	vld [tilespmem:s31+$0xC480]  }
0x185: {  	v5 =	vnsel vm11, $0x0, v2  }
0x186: {  	vm12 =	veq.s32 v33, v17;
	v1 =	vadd.f32 v2, v1;
	v0 =	vadd.f32 v5, v0;
	v2 =	vld [tilespmem:s31+$0xC500]  }
0x187: {  	v5 =	vnsel vm12, $0x0, v3  }
0x188: {  	vm13 =	veq.s32 v33, v18;
	v1 =	vadd.f32 v3, v1;
	v0 =	vadd.f32 v5, v0;
	v3 =	vld [tilespmem:s31+$0xC580]  }
0x189: {  	v5 =	vnsel vm13, $0x0, v4  }
0x18a: {  	vm14 =	veq.s32 v33, v19;
	v1 =	vadd.f32 v4, v1;
	v0 =	vadd.f32 v5, v0;
	v4 =	vld [tilespmem:s31+$0xC600]  }
0x18b: {  	v5 =	vnsel vm14, $0x0, v2  }
0x18c: {  	vm15 =	veq.s32 v33, v20;
	v1 =	vadd.f32 v2, v1;
	v0 =	vadd.f32 v5, v0;
	v2 =	vld [tilespmem:s31+$0xC680]  }
0x18d: {  	v5 =	vnsel vm15, $0x0, v3  }
0x18e: {  	vm4 =	veq.s32 v33, v21;
	v1 =	vadd.f32 v3, v1;
	v0 =	vadd.f32 v5, v0;
	v3 =	vld [tilespmem:s31+$0xC700]  }
0x18f: {  	v5 =	vnsel vm4, $0x0, v4  }
0x190: {  	vm5 =	veq.s32 v33, v22;
	v1 =	vadd.f32 v4, v1;
	v0 =	vadd.f32 v5, v0;
	v4 =	vld [tilespmem:s31+$0xC780]  }
0x191: {  	v5 =	vnsel vm5, $0x0, v2  }
0x192: {  	vm6 =	veq.s32 v33, v23;
	v1 =	vadd.f32 v2, v1;
	v0 =	vadd.f32 v5, v0;
	v2 =	vld [tilespmem:s31+$0xE400]  }
0x193: {  	v5 =	vnsel vm6, $0x0, v3  }
0x194: {  	vm7 =	veq.s32 v33, v24;
	v1 =	vadd.f32 v3, v1;
	v0 =	vadd.f32 v5, v0;
	v3 =	vld [tilespmem:s31+$0xE480]  }
0x195: {  	v5 =	vnsel vm7, $0x0, v4  }
0x196: {  	vm8 =	veq.s32 v33, v25;
	v1 =	vadd.f32 v4, v1;
	v0 =	vadd.f32 v5, v0;
	v4 =	vld [tilespmem:s31+$0xE500]  }
0x197: {  	v5 =	vnsel vm8, $0x0, v2  }
0x198: {  	vm9 =	veq.s32 v33, v26;
	v1 =	vadd.f32 v2, v1;
	v0 =	vadd.f32 v5, v0;
	v2 =	vld [tilespmem:s31+$0xE580]  }
0x199: {  	v5 =	vnsel vm9, $0x0, v3  }
0x19a: {  	vm10 =	veq.s32 v33, v27;
	v1 =	vadd.f32 v3, v1;
	v0 =	vadd.f32 v5, v0;
	v3 =	vld [tilespmem:s31+$0xE600]  }
0x19b: {  	v5 =	vnsel vm10, $0x0, v4  }
0x19c: {  	vm11 =	veq.s32 v33, v30;
	v1 =	vadd.f32 v4, v1;
	v0 =	vadd.f32 v5, v0;
	v4 =	vld [tilespmem:s31+$0xE680]  }
0x19d: {  	v5 =	vnsel vm11, $0x0, v2  }
0x19e: {  	vm12 =	veq.s32 v33, v31;
	v1 =	vadd.f32 v2, v1;
	v0 =	vadd.f32 v5, v0;
	v2 =	vld [tilespmem:s31+$0xE700]  }
0x19f: {  	v5 =	vnsel vm12, $0x0, v3  }
0x1a0: {  	vm13 =	veq.s32 v33, v28;
	v1 =	vadd.f32 v3, v1;
	v0 =	vadd.f32 v5, v0;
	v3 =	vld [tilespmem:s31+$0xE780]  }
0x1a1: {  	v5 =	vnsel vm13, $0x0, v4  }
0x1a2: {  	vm14 =	veq.s32 v33, v32;
	v1 =	vadd.f32 v4, v1;
	v0 =	vadd.f32 v5, v0  }
.Ltmp4:
0x1a3: {  	v4 =	vnsel vm14, $0x0, v2;
	(pc) =	sbr.rel @p0 .LBB2_8-.Ltmp4, $3  }
0x1a4: {  	vm15 =	veq.s32 v33, v29;
	v1 =	vadd.f32 v2, v1;
	v0 =	vadd.f32 v4, v0  }
0x1a5: {  	v2 =	vnsel vm15, $0x0, v3  }
0x1a6: {  	v3 =	vadd.f32 v3, v1;
	v1 =	vadd.f32 v2, v0;
	_ =	sdelay $0x1  }
.Ltmp5:
0x1a7: {  	(pc) =	sbr.rel .LBB2_2-.Ltmp5, $4  }
0x1a8: {  	s20 =	sadd.s32 s20, s9  }
0x1a9: {  	s20 =	sshrl.u32 s20, $0x3  }
0x1aa: {  	s19 =	sadd.s32 $0x1, s19;
	s20 =	sadd.s32 s1, s20  }
0x1ab: {  	[tilespmem:s14], [sflag:$0x2] =	stream.linear.gather [hbm4b:s20+s4], $0x8000, $0x38;
	[tilespmem:$0x10480] =	vst v63  }
.LBB2_9:
0x1ac: {  	_ =	sfence.sel $0x180000  }
0x1ad: {  	[bflag:$0x0] =	sbarrier.arrive $0xFFFF  }
0x1ae: {  	p0 =	sne.s32 s3, $0x0;
	_ =	strace $0x90000047  }
0x1af: {  	s0 =	sadd.s32 @!p0 $0x100000, s0;
	[bflag:$0x2] =	sbarrier.arrive $0xFFFF  }
0x1b0: {  	[sflag:s0] =	ssyncadd.tile.s32 @!p0 $0x1;
	_ =	shalt  }
.Lfunc_end2:
_tile_overlayer_lowered:
.L_overlay_start_2:
0x1b1: {  	(tag) =	ssettag $0x2  }
0x1b2: {  	s0 =	rddreg [dreg:$0x0];
	s2 =	stileid.u32  }
0x1b3: {  	s1 =	rddreg [dreg:$0x1];
	p0 =	sne.s32 s2, $0x0  }
0x1b4: {  	s3 =	rddreg [dreg:$0x2];
	[bflag:$0x3] =	sbarrier.arrive $0xFFFF;
	s2 =	simm.s32 @!p0 $0x1C03  }
0x1b5: {  	[timem:s3], [sflag:s2] =	dma.local @!p0 [hbm:s0], s1  }
0x1b6: {  	s0 =	simm.s32 @!p0 $0x3  }
0x1b7: {  	_ =	swait.ge @!p0 [sflag:s0], s1  }
0x1b8: {  	s1 =	ssub.s32 @!p0 $0x0, s1;
	[sflag:s0] =	ssyncset.done @!p0 $0x0  }
0x1b9: {  	[sflag:s0] =	ssyncadd.s32 @!p0 s1  }
0x1ba: {  	[bflag:$0x3] =	sbarrier.arrive $0xFFFF  }
0x1bb: {  	_ =	shalt  }

</sc_bundles>
